<compile_context>
chip_gen: v7x
topology: tpu7x:2x2x1
jax: 0.10.2.dev20260603
libtpu: 0.0.44.dev20260713+nightly
codegen_flags: <defaults>
</compile_context>

<pallas_src>
import functools
import math

import jax
import jax.numpy as jnp
from jax import lax
from jax.experimental import pallas as pl
from jax.experimental.pallas import tpu as pltpu
from jax.experimental.pallas import tpu_sc as plsc

_B, _L, _FRONT, _D = 1024, 200, 32, 128
_N = _B * _L
_V = 1000000
_CH = 128
_NBUF = 2

_PC = 32768
_PB = _PC // 4
_NP = -(-_V // _PC)
_VP = _NP * _PC
_PBLOG = _PB.bit_length() - 1

try:
    _sc_info = plsc.get_sparse_core_info()
    _NC, _NS = _sc_info.num_cores, _sc_info.num_subcores
except Exception:
    _NC, _NS = 2, 16
_NW = _NC * _NS
_NCHUNK = _N // _CH
_CPW = _NCHUNK // _NW


def _relayout_body(yt_ref, o_ref):
    y = yt_ref[...]
    row = lax.broadcasted_iota(jnp.int32, (_D, _D), 0)
    col = lax.broadcasted_iota(jnp.int32, (_D, _D), 1)
    ident = jnp.where(row == col, 1.0, 0.0).astype(jnp.float32)
    chunks = []
    for c in range(_PC // _D):
        yc = y[:, _D * c:_D * (c + 1)]
        chunks.append(lax.dot_general(
            ident, yc, (((1,), (1,)), ((), ())),
            preferred_element_type=jnp.float32))
    per_b = _PB // _D
    o_ref[...] = jnp.concatenate(
        [jnp.concatenate(chunks[per_b * b:per_b * (b + 1)], axis=0)
         for b in range(4)], axis=1
    )


def _tc_relayout(tokT):
    return pl.pallas_call(
        _relayout_body,
        grid=(_NP,),
        in_specs=[pl.BlockSpec((_FRONT, _PC), lambda i: (0, i))],
        out_specs=pl.BlockSpec((_PB, _D), lambda i: (i, 0)),
        out_shape=jax.ShapeDtypeStruct((_NP * _PB, _D), jnp.float32),
    )(tokT)


def _gather_body(idx_hbm, table_hbm, out_hbm, idx_v, buf_v, sem0, sem1):
    c = lax.axis_index("c")
    s = lax.axis_index("s")
    wid = s * _NC + c
    row0 = wid * _CPW
    sems = (sem0, sem1)

    pltpu.sync_copy(idx_hbm.at[wid], idx_v)

    for b in range(_NBUF):
        pltpu.async_copy(table_hbm.at[idx_v.at[b]], buf_v.at[b], sems[b])

    def step(t, carry):
        for b in range(_NBUF):
            j = t * _NBUF + b
            pltpu.make_async_copy(
                table_hbm.at[idx_v.at[j]], buf_v.at[b], sems[b]
            ).wait()
            pltpu.sync_copy(buf_v.at[b], out_hbm.at[row0 + j])
            nj = j + _NBUF

            @pl.when(nj < _CPW)
            def _():
                pltpu.async_copy(table_hbm.at[idx_v.at[nj]], buf_v.at[b], sems[b])

        return carry

    lax.fori_loop(0, _CPW // _NBUF, step, 0, unroll=False)


def _sc_gather(idx3d, table):
    mesh = plsc.VectorSubcoreMesh(core_axis_name="c", subcore_axis_name="s")
    return pl.kernel(
        _gather_body,
        out_type=jax.ShapeDtypeStruct((_NCHUNK, _CH, _FRONT), jnp.float32),
        mesh=mesh,
        scratch_types=[
            pltpu.VMEM((_CPW, _CH), jnp.int32),
            pltpu.VMEM((_NBUF, _CH, _FRONT), jnp.float32),
            pltpu.SemaphoreType.DMA,
            pltpu.SemaphoreType.DMA,
        ],
        compiler_params=pltpu.CompilerParams(use_tc_tiling_on_sc=False),
    )(idx3d, table)


_INV_SQRT2 = 1.0 / math.sqrt(2.0)
_TB = 3200


def _mlp_body(x_ref, w1_ref, b1_ref, w2_ref, b2_ref, o_ref):
    x = x_ref[...]
    xp = jnp.concatenate(
        [x[:, 32 * a:32 * (a + 1)] for a in range(4)], axis=0
    )
    h = lax.dot_general(
        xp, w1_ref[...], (((1,), (1,)), ((), ())),
        preferred_element_type=jnp.float32,
    ) + b1_ref[...]
    h = h * 0.5 * (1.0 + lax.erf(h * _INV_SQRT2))
    o = lax.dot_general(
        h, w2_ref[...], (((1,), (1,)), ((), ())),
        preferred_element_type=jnp.float32,
    ) + b2_ref[...]
    o_ref[...] = jnp.concatenate(
        [o[_TB * a:_TB * (a + 1), :] for a in range(4)], axis=1
    )


def _tc_mlp(x128, W1, b1, W2, b2):
    nrow = _N // 4
    return pl.pallas_call(
        _mlp_body,
        grid=(nrow // _TB,),
        in_specs=[
            pl.BlockSpec((_TB, _D), lambda i: (i, 0)),
            pl.BlockSpec((_D, _FRONT), lambda i: (0, 0)),
            pl.BlockSpec((1, _D), lambda i: (0, 0)),
            pl.BlockSpec((_D, _D), lambda i: (0, 0)),
            pl.BlockSpec((1, _D), lambda i: (0, 0)),
        ],
        out_specs=pl.BlockSpec((_TB, 4 * _D), lambda i: (i, 0)),
        out_shape=jax.ShapeDtypeStruct((nrow, 4 * _D), jnp.float32),
    )(x128, W1, b1.reshape(1, _D), W2, b2.reshape(1, _D))


def kernel(idxs, tok_embed, W1, b1, W2, b2):
    trel = _tc_relayout(tok_embed.T)
    table = trel.reshape(_VP, _FRONT)

    r = idxs.reshape(-1).astype(jnp.int32)
    g = (r & ~jnp.int32(_PC - 1)) + 4 * (r & jnp.int32(_PB - 1)) + ((r & jnp.int32(_PC - 1)) >> _PBLOG)
    idx3d = g.reshape(_NW, _CPW, _CH)

    gathered = _sc_gather(idx3d, table)
    x128 = gathered.reshape(_N // 4, _D)
    out = _tc_mlp(x128, W1, b1, W2, b2)
    return out.reshape(_B, _L, _D)

# --- scband reference (transcript-rebuilt; emitter-appended) ---
"""Pipeline reference for scband-unified-embedding-4501125726693 (READ-ONLY COPY).

The authoritative reference and input builder live on the scoring server;
editing this copy changes nothing except your own understanding.
"""

import jax, jax.numpy as jnp
import numpy as np

VOCAB = 1000000
FRONT = 32  # int(128 * 0.25)
D = 128
B, L = 1024, 200


def setup_inputs(seed=0) -> dict:
    key = jax.random.key(seed)
    k1, k2, k3, k4 = jax.random.split(key, 4)
    idxs = jax.random.randint(k1, (B, L), 0, VOCAB, dtype=jnp.int64 if jax.config.read('jax_enable_x64') else jnp.int32)
    tok_embed = jax.random.normal(k2, (VOCAB, FRONT), dtype=jnp.float32)
    W1 = jax.random.normal(k3, (D, FRONT), dtype=jnp.float32) * (1.0 / np.sqrt(FRONT))
    b1 = jnp.zeros((D,), dtype=jnp.float32)
    W2 = jax.random.normal(k4, (D, D), dtype=jnp.float32) * (1.0 / np.sqrt(D))
    b2 = jnp.zeros((D,), dtype=jnp.float32)
    return {"idxs": idxs, "tok_embed": tok_embed, "W1": W1, "b1": b1, "W2": W2, "b2": b2}


def reference(idxs, tok_embed, W1, b1, W2, b2):
    # UnifiedEmbedding.forward: gather -> integration1 -> gelu -> integration2.
    # The allow_reorder dedup path is a pure compute optimization (identical math),
    # so the direct gather is the faithful translation.
    x = jnp.take(tok_embed, idxs, axis=0)          # [B, L, FRONT]
    x = x @ W1.T + b1                               # integration1: [B, L, D]
    x = jax.nn.gelu(x, approximate=False)           # torch F.gelu default (erf)
    x = x @ W2.T + b2                               # integration2: [B, L, D]
    return x

if __name__ == "__main__":
    import jax
    _d = setup_inputs()
    print(jax.jit(kernel)(*tuple(_d.values())))

</pallas_src>

<mosaic_0001>
#map = affine_map<(d0, d1) -> (0, 0, 0)>
#map1 = affine_map<(d0, d1) -> (0, 0)>
module attributes {stable_mosaic.version = 14 : i64} {
  func.func @_gather_body(%arg0: i32, %arg1: i32, %arg2: memref<32x50x128xi32, #tpu.memory_space<hbm>>, %arg3: memref<1015808x32xf32, #tpu.memory_space<hbm>>, %arg4: memref<1600x128x32xf32, #tpu.memory_space<hbm>>, %arg5: memref<50x128xi32, #tpu.memory_space<vmem>>, %arg6: memref<2x128x32xf32, #tpu.memory_space<vmem>>, %arg7: memref<!tpu.dma_semaphore, #tpu.memory_space<semaphore_mem>>, %arg8: memref<!tpu.dma_semaphore, #tpu.memory_space<semaphore_mem>>) attributes {dimension_semantics = [#tpu.dimension_semantics<core_parallel>, #tpu.dimension_semantics<subcore_parallel>], iteration_bounds = array<i64: 2, 16>, scalar_prefetch = 0 : i64, scratch_operands = 4 : i64, tpu.core_type = #tpu.core_type<sc_vector_subcore>, window_params = [{transform_indices = #map}, {transform_indices = #map1}, {transform_indices = #map}]} {
    %mul3A = arith.constant 2 : i32
    %mul3A_0 = arith.muli %arg1, %mul3A : i32
    %add3A = arith.addi %mul3A_0, %arg0 : i32
    %mul3A_1 = arith.constant 50 : i32
    %mul3A_2 = arith.muli %add3A, %mul3A_1 : i32
    "tpu.region"() ({
      %run_scoped3A = tpu.sem_alloc : memref<!tpu.dma_semaphore, #tpu.memory_space<semaphore_mem>>
      %dma_start3A_31 = arith.constant 0 : i32
      %dma_start3A_32 = arith.constant 0 : i32
      %dma_start3A_33 = tpu.memref_slice %arg2[%add3A, %dma_start3A_31, %dma_start3A_32] : memref<32x50x128xi32, #tpu.memory_space<hbm>> -> memref<1x50x128xi32, #tpu.memory_space<hbm>>
      %dma_start3A_34 = tpu.memref_squeeze %dma_start3A_33 : memref<1x50x128xi32, #tpu.memory_space<hbm>> -> memref<50x128xi32, #tpu.memory_space<hbm>>
      %dma_start3A_35 = arith.constant 0 : i32
      %dma_start3A_36 = arith.constant 0 : i32
      %dma_start3A_37 = tpu.memref_slice %arg2[%add3A, %dma_start3A_35, %dma_start3A_36] : memref<32x50x128xi32, #tpu.memory_space<hbm>> -> memref<1x50x128xi32, #tpu.memory_space<hbm>>
      %dma_start3A_38 = tpu.memref_squeeze %dma_start3A_37 : memref<1x50x128xi32, #tpu.memory_space<hbm>> -> memref<50x128xi32, #tpu.memory_space<hbm>>
      tpu.enqueue_dma source(%dma_start3A_38 : memref<50x128xi32, #tpu.memory_space<hbm>>) target(%arg5 : memref<50x128xi32, #tpu.memory_space<vmem>>) target_semaphore(%run_scoped3A : memref<!tpu.dma_semaphore, #tpu.memory_space<semaphore_mem>>)
      %dma_wait3A = arith.constant 0 : i32
      %dma_wait3A_39 = arith.constant 0 : i32
      %dma_wait3A_40 = tpu.memref_slice %arg2[%add3A, %dma_wait3A, %dma_wait3A_39] : memref<32x50x128xi32, #tpu.memory_space<hbm>> -> memref<1x50x128xi32, #tpu.memory_space<hbm>>
      %dma_wait3A_41 = tpu.memref_squeeze %dma_wait3A_40 : memref<1x50x128xi32, #tpu.memory_space<hbm>> -> memref<50x128xi32, #tpu.memory_space<hbm>>
      %dma_wait3A_42 = arith.constant 0 : i32
      %dma_wait3A_43 = arith.constant 0 : i32
      %dma_wait3A_44 = tpu.memref_slice %arg2[%add3A, %dma_wait3A_42, %dma_wait3A_43] : memref<32x50x128xi32, #tpu.memory_space<hbm>> -> memref<1x50x128xi32, #tpu.memory_space<hbm>>
      %dma_wait3A_45 = tpu.memref_squeeze %dma_wait3A_44 : memref<1x50x128xi32, #tpu.memory_space<hbm>> -> memref<50x128xi32, #tpu.memory_space<hbm>>
      tpu.wait_dma2 semaphore(%run_scoped3A : memref<!tpu.dma_semaphore, #tpu.memory_space<semaphore_mem>>) src(%dma_wait3A_45 : memref<50x128xi32, #tpu.memory_space<hbm>>) dst(%arg5 : memref<50x128xi32, #tpu.memory_space<vmem>>)
      tpu.yield
    }) : () -> ()
    %dma_start3A = arith.constant 0 : i32
    %dma_start3A_3 = arith.constant 0 : i32
    %dma_start3A_4 = arith.constant 0 : i32
    %dma_start3A_5 = arith.constant 0 : i32
    %dma_start3A_6 = tpu.memref_slice %arg6[%dma_start3A_3, %dma_start3A_4, %dma_start3A_5] : memref<2x128x32xf32, #tpu.memory_space<vmem>> -> memref<1x128x32xf32, #tpu.memory_space<vmem>>
    %dma_start3A_7 = tpu.memref_squeeze %dma_start3A_6 : memref<1x128x32xf32, #tpu.memory_space<vmem>> -> memref<128x32xf32, #tpu.memory_space<vmem>>
    %dma_start3A_8 = arith.constant 0 : i32
    %dma_start3A_9 = tpu.memref_slice %arg5[%dma_start3A, %dma_start3A_8] : memref<50x128xi32, #tpu.memory_space<vmem>> -> memref<1x128xi32, #tpu.memory_space<vmem>>
    %dma_start3A_10 = tpu.memref_squeeze %dma_start3A_9 : memref<1x128xi32, #tpu.memory_space<vmem>> -> memref<128xi32, #tpu.memory_space<vmem>>
    %dma_start3A_11 = arith.constant 0 : i32
    %dma_start3A_12 = arith.constant 0 : i32
    %dma_start3A_13 = tpu.memref_slice %arg3[%dma_start3A_11, %dma_start3A_12] : memref<1015808x32xf32, #tpu.memory_space<hbm>> -> memref<1015808x32xf32, #tpu.memory_space<hbm>>
    tpu.enqueue_indirect_dma source(%dma_start3A_13 : memref<1015808x32xf32, #tpu.memory_space<hbm>>) target(%dma_start3A_7 : memref<128x32xf32, #tpu.memory_space<vmem>>) offsets(%dma_start3A_10 : memref<128xi32, #tpu.memory_space<vmem>>) semaphore(%arg7 : memref<!tpu.dma_semaphore, #tpu.memory_space<semaphore_mem>>)
    %dma_start3A_14 = arith.constant 1 : i32
    %dma_start3A_15 = arith.constant 1 : i32
    %dma_start3A_16 = arith.constant 0 : i32
    %dma_start3A_17 = arith.constant 0 : i32
    %dma_start3A_18 = tpu.memref_slice %arg6[%dma_start3A_15, %dma_start3A_16, %dma_start3A_17] : memref<2x128x32xf32, #tpu.memory_space<vmem>> -> memref<1x128x32xf32, #tpu.memory_space<vmem>>
    %dma_start3A_19 = tpu.memref_squeeze %dma_start3A_18 : memref<1x128x32xf32, #tpu.memory_space<vmem>> -> memref<128x32xf32, #tpu.memory_space<vmem>>
    %dma_start3A_20 = arith.constant 0 : i32
    %dma_start3A_21 = tpu.memref_slice %arg5[%dma_start3A_14, %dma_start3A_20] : memref<50x128xi32, #tpu.memory_space<vmem>> -> memref<1x128xi32, #tpu.memory_space<vmem>>
    %dma_start3A_22 = tpu.memref_squeeze %dma_start3A_21 : memref<1x128xi32, #tpu.memory_space<vmem>> -> memref<128xi32, #tpu.memory_space<vmem>>
    %dma_start3A_23 = arith.constant 0 : i32
    %dma_start3A_24 = arith.constant 0 : i32
    %dma_start3A_25 = tpu.memref_slice %arg3[%dma_start3A_23, %dma_start3A_24] : memref<1015808x32xf32, #tpu.memory_space<hbm>> -> memref<1015808x32xf32, #tpu.memory_space<hbm>>
    tpu.enqueue_indirect_dma source(%dma_start3A_25 : memref<1015808x32xf32, #tpu.memory_space<hbm>>) target(%dma_start3A_19 : memref<128x32xf32, #tpu.memory_space<vmem>>) offsets(%dma_start3A_22 : memref<128xi32, #tpu.memory_space<vmem>>) semaphore(%arg8 : memref<!tpu.dma_semaphore, #tpu.memory_space<semaphore_mem>>)
    %scan3A = arith.constant 0 : i32
    %scan3A_26 = arith.constant 0 : i32
    %scan3A_27 = arith.constant 25 : i32
    %scan3A_28 = arith.addi %scan3A_26, %scan3A_27 : i32
    %scan3A_29 = arith.constant 1 : i32
    scf.for %scan3A_31 = %scan3A_26 to %scan3A_28 step %scan3A_29  : i32 {
      %mul3A_32 = arith.constant 2 : i32
      %mul3A_33 = arith.muli %scan3A_31, %mul3A_32 : i32
      %add3A_34 = arith.constant 0 : i32
      %add3A_35 = arith.addi %mul3A_33, %add3A_34 : i32
      %dma_wait3A = arith.constant 0 : i32
      %dma_wait3A_36 = arith.constant 0 : i32
      %dma_wait3A_37 = arith.constant 0 : i32
      %dma_wait3A_38 = tpu.memref_slice %arg6[%dma_wait3A, %dma_wait3A_36, %dma_wait3A_37] : memref<2x128x32xf32, #tpu.memory_space<vmem>> -> memref<1x128x32xf32, #tpu.memory_space<vmem>>
      %dma_wait3A_39 = tpu.memref_squeeze %dma_wait3A_38 : memref<1x128x32xf32, #tpu.memory_space<vmem>> -> memref<128x32xf32, #tpu.memory_space<vmem>>
      %dma_wait3A_40 = arith.constant 0 : i32
      %dma_wait3A_41 = tpu.memref_slice %arg5[%add3A_35, %dma_wait3A_40] : memref<50x128xi32, #tpu.memory_space<vmem>> -> memref<1x128xi32, #tpu.memory_space<vmem>>
      %dma_wait3A_42 = tpu.memref_squeeze %dma_wait3A_41 : memref<1x128xi32, #tpu.memory_space<vmem>> -> memref<128xi32, #tpu.memory_space<vmem>>
      %dma_wait3A_43 = arith.constant 0 : i32
      %dma_wait3A_44 = arith.constant 0 : i32
      %dma_wait3A_45 = tpu.memref_slice %arg3[%dma_wait3A_43, %dma_wait3A_44] : memref<1015808x32xf32, #tpu.memory_space<hbm>> -> memref<1015808x32xf32, #tpu.memory_space<hbm>>
      tpu.wait_indirect_dma semaphore(%arg7 : memref<!tpu.dma_semaphore, #tpu.memory_space<semaphore_mem>>) src(%dma_wait3A_45 : memref<1015808x32xf32, #tpu.memory_space<hbm>>) dst(%dma_wait3A_39 : memref<128x32xf32, #tpu.memory_space<vmem>>)
      %add3A_46 = arith.addi %mul3A_2, %add3A_35 : i32
      %run_scoped3A = arith.constant 0 : i32
      "tpu.region"() ({
        %run_scoped3A_75 = tpu.sem_alloc : memref<!tpu.dma_semaphore, #tpu.memory_space<semaphore_mem>>
        %dma_start3A_76 = arith.constant 0 : i32
        %dma_start3A_77 = arith.constant 0 : i32
        %dma_start3A_78 = tpu.memref_slice %arg6[%run_scoped3A, %dma_start3A_76, %dma_start3A_77] : memref<2x128x32xf32, #tpu.memory_space<vmem>> -> memref<1x128x32xf32, #tpu.memory_space<vmem>>
        %dma_start3A_79 = tpu.memref_squeeze %dma_start3A_78 : memref<1x128x32xf32, #tpu.memory_space<vmem>> -> memref<128x32xf32, #tpu.memory_space<vmem>>
        %dma_start3A_80 = arith.constant 0 : i32
        %dma_start3A_81 = arith.constant 0 : i32
        %dma_start3A_82 = tpu.memref_slice %arg4[%add3A_46, %dma_start3A_80, %dma_start3A_81] : memref<1600x128x32xf32, #tpu.memory_space<hbm>> -> memref<1x128x32xf32, #tpu.memory_space<hbm>>
        %dma_start3A_83 = tpu.memref_squeeze %dma_start3A_82 : memref<1x128x32xf32, #tpu.memory_space<hbm>> -> memref<128x32xf32, #tpu.memory_space<hbm>>
        %dma_start3A_84 = arith.constant 0 : i32
        %dma_start3A_85 = arith.constant 0 : i32
        %dma_start3A_86 = tpu.memref_slice %arg4[%add3A_46, %dma_start3A_84, %dma_start3A_85] : memref<1600x128x32xf32, #tpu.memory_space<hbm>> -> memref<1x128x32xf32, #tpu.memory_space<hbm>>
        %dma_start3A_87 = tpu.memref_squeeze %dma_start3A_86 : memref<1x128x32xf32, #tpu.memory_space<hbm>> -> memref<128x32xf32, #tpu.memory_space<hbm>>
        %dma_start3A_88 = arith.constant 0 : i32
        %dma_start3A_89 = arith.constant 0 : i32
        %dma_start3A_90 = tpu.memref_slice %arg6[%run_scoped3A, %dma_start3A_88, %dma_start3A_89] : memref<2x128x32xf32, #tpu.memory_space<vmem>> -> memref<1x128x32xf32, #tpu.memory_space<vmem>>
        %dma_start3A_91 = tpu.memref_squeeze %dma_start3A_90 : memref<1x128x32xf32, #tpu.memory_space<vmem>> -> memref<128x32xf32, #tpu.memory_space<vmem>>
        tpu.enqueue_dma source(%dma_start3A_91 : memref<128x32xf32, #tpu.memory_space<vmem>>) target(%dma_start3A_87 : memref<128x32xf32, #tpu.memory_space<hbm>>) target_semaphore(%run_scoped3A_75 : memref<!tpu.dma_semaphore, #tpu.memory_space<semaphore_mem>>)
        %dma_wait3A_92 = arith.constant 0 : i32
        %dma_wait3A_93 = arith.constant 0 : i32
        %dma_wait3A_94 = tpu.memref_slice %arg6[%run_scoped3A, %dma_wait3A_92, %dma_wait3A_93] : memref<2x128x32xf32, #tpu.memory_space<vmem>> -> memref<1x128x32xf32, #tpu.memory_space<vmem>>
        %dma_wait3A_95 = tpu.memref_squeeze %dma_wait3A_94 : memref<1x128x32xf32, #tpu.memory_space<vmem>> -> memref<128x32xf32, #tpu.memory_space<vmem>>
        %dma_wait3A_96 = arith.constant 0 : i32
        %dma_wait3A_97 = arith.constant 0 : i32
        %dma_wait3A_98 = tpu.memref_slice %arg4[%add3A_46, %dma_wait3A_96, %dma_wait3A_97] : memref<1600x128x32xf32, #tpu.memory_space<hbm>> -> memref<1x128x32xf32, #tpu.memory_space<hbm>>
        %dma_wait3A_99 = tpu.memref_squeeze %dma_wait3A_98 : memref<1x128x32xf32, #tpu.memory_space<hbm>> -> memref<128x32xf32, #tpu.memory_space<hbm>>
        %dma_wait3A_100 = arith.constant 0 : i32
        %dma_wait3A_101 = arith.constant 0 : i32
        %dma_wait3A_102 = tpu.memref_slice %arg4[%add3A_46, %dma_wait3A_100, %dma_wait3A_101] : memref<1600x128x32xf32, #tpu.memory_space<hbm>> -> memref<1x128x32xf32, #tpu.memory_space<hbm>>
        %dma_wait3A_103 = tpu.memref_squeeze %dma_wait3A_102 : memref<1x128x32xf32, #tpu.memory_space<hbm>> -> memref<128x32xf32, #tpu.memory_space<hbm>>
        %dma_wait3A_104 = arith.constant 0 : i32
        %dma_wait3A_105 = arith.constant 0 : i32
        %dma_wait3A_106 = tpu.memref_slice %arg6[%run_scoped3A, %dma_wait3A_104, %dma_wait3A_105] : memref<2x128x32xf32, #tpu.memory_space<vmem>> -> memref<1x128x32xf32, #tpu.memory_space<vmem>>
        %dma_wait3A_107 = tpu.memref_squeeze %dma_wait3A_106 : memref<1x128x32xf32, #tpu.memory_space<vmem>> -> memref<128x32xf32, #tpu.memory_space<vmem>>
        tpu.wait_dma2 semaphore(%run_scoped3A_75 : memref<!tpu.dma_semaphore, #tpu.memory_space<semaphore_mem>>) src(%dma_wait3A_107 : memref<128x32xf32, #tpu.memory_space<vmem>>) dst(%dma_wait3A_103 : memref<128x32xf32, #tpu.memory_space<hbm>>)
        tpu.yield
      }) : () -> ()
      %add3A_47 = arith.constant 2 : i32
      %add3A_48 = arith.addi %add3A_35, %add3A_47 : i32
      %lt3A = arith.constant 50 : i32
      %lt3A_49 = arith.cmpi slt, %add3A_48, %lt3A : i32
      %convert_element_type3A = arith.extui %lt3A_49 : i1 to i32
      %cond3A = arith.constant 0 : i32
      %cond3A_50 = arith.cmpi ne, %convert_element_type3A, %cond3A : i32
      scf.if %cond3A_50 {
        %dma_start3A_75 = arith.constant 0 : i32
        %dma_start3A_76 = arith.constant 0 : i32
        %dma_start3A_77 = arith.constant 0 : i32
        %dma_start3A_78 = tpu.memref_slice %arg6[%dma_start3A_75, %dma_start3A_76, %dma_start3A_77] : memref<2x128x32xf32, #tpu.memory_space<vmem>> -> memref<1x128x32xf32, #tpu.memory_space<vmem>>
        %dma_start3A_79 = tpu.memref_squeeze %dma_start3A_78 : memref<1x128x32xf32, #tpu.memory_space<vmem>> -> memref<128x32xf32, #tpu.memory_space<vmem>>
        %dma_start3A_80 = arith.constant 0 : i32
        %dma_start3A_81 = tpu.memref_slice %arg5[%add3A_48, %dma_start3A_80] : memref<50x128xi32, #tpu.memory_space<vmem>> -> memref<1x128xi32, #tpu.memory_space<vmem>>
        %dma_start3A_82 = tpu.memref_squeeze %dma_start3A_81 : memref<1x128xi32, #tpu.memory_space<vmem>> -> memref<128xi32, #tpu.memory_space<vmem>>
        %dma_start3A_83 = arith.constant 0 : i32
        %dma_start3A_84 = arith.constant 0 : i32
        %dma_start3A_85 = tpu.memref_slice %arg3[%dma_start3A_83, %dma_start3A_84] : memref<1015808x32xf32, #tpu.memory_space<hbm>> -> memref<1015808x32xf32, #tpu.memory_space<hbm>>
        tpu.enqueue_indirect_dma source(%dma_start3A_85 : memref<1015808x32xf32, #tpu.memory_space<hbm>>) target(%dma_start3A_79 : memref<128x32xf32, #tpu.memory_space<vmem>>) offsets(%dma_start3A_82 : memref<128xi32, #tpu.memory_space<vmem>>) semaphore(%arg7 : memref<!tpu.dma_semaphore, #tpu.memory_space<semaphore_mem>>)
      } else {
      }
      %mul3A_51 = arith.constant 2 : i32
      %mul3A_52 = arith.muli %scan3A_31, %mul3A_51 : i32
      %add3A_53 = arith.constant 1 : i32
      %add3A_54 = arith.addi %mul3A_52, %add3A_53 : i32
      %dma_wait3A_55 = arith.constant 1 : i32
      %dma_wait3A_56 = arith.constant 0 : i32
      %dma_wait3A_57 = arith.constant 0 : i32
      %dma_wait3A_58 = tpu.memref_slice %arg6[%dma_wait3A_55, %dma_wait3A_56, %dma_wait3A_57] : memref<2x128x32xf32, #tpu.memory_space<vmem>> -> memref<1x128x32xf32, #tpu.memory_space<vmem>>
      %dma_wait3A_59 = tpu.memref_squeeze %dma_wait3A_58 : memref<1x128x32xf32, #tpu.memory_space<vmem>> -> memref<128x32xf32, #tpu.memory_space<vmem>>
      %dma_wait3A_60 = arith.constant 0 : i32
      %dma_wait3A_61 = tpu.memref_slice %arg5[%add3A_54, %dma_wait3A_60] : memref<50x128xi32, #tpu.memory_space<vmem>> -> memref<1x128xi32, #tpu.memory_space<vmem>>
      %dma_wait3A_62 = tpu.memref_squeeze %dma_wait3A_61 : memref<1x128xi32, #tpu.memory_space<vmem>> -> memref<128xi32, #tpu.memory_space<vmem>>
      %dma_wait3A_63 = arith.constant 0 : i32
      %dma_wait3A_64 = arith.constant 0 : i32
      %dma_wait3A_65 = tpu.memref_slice %arg3[%dma_wait3A_63, %dma_wait3A_64] : memref<1015808x32xf32, #tpu.memory_space<hbm>> -> memref<1015808x32xf32, #tpu.memory_space<hbm>>
      tpu.wait_indirect_dma semaphore(%arg8 : memref<!tpu.dma_semaphore, #tpu.memory_space<semaphore_mem>>) src(%dma_wait3A_65 : memref<1015808x32xf32, #tpu.memory_space<hbm>>) dst(%dma_wait3A_59 : memref<128x32xf32, #tpu.memory_space<vmem>>)
      %add3A_66 = arith.addi %mul3A_2, %add3A_54 : i32
      %run_scoped3A_67 = arith.constant 1 : i32
      "tpu.region"() ({
        %run_scoped3A_75 = tpu.sem_alloc : memref<!tpu.dma_semaphore, #tpu.memory_space<semaphore_mem>>
        %dma_start3A_76 = arith.constant 0 : i32
        %dma_start3A_77 = arith.constant 0 : i32
        %dma_start3A_78 = tpu.memref_slice %arg6[%run_scoped3A_67, %dma_start3A_76, %dma_start3A_77] : memref<2x128x32xf32, #tpu.memory_space<vmem>> -> memref<1x128x32xf32, #tpu.memory_space<vmem>>
        %dma_start3A_79 = tpu.memref_squeeze %dma_start3A_78 : memref<1x128x32xf32, #tpu.memory_space<vmem>> -> memref<128x32xf32, #tpu.memory_space<vmem>>
        %dma_start3A_80 = arith.constant 0 : i32
        %dma_start3A_81 = arith.constant 0 : i32
        %dma_start3A_82 = tpu.memref_slice %arg4[%add3A_66, %dma_start3A_80, %dma_start3A_81] : memref<1600x128x32xf32, #tpu.memory_space<hbm>> -> memref<1x128x32xf32, #tpu.memory_space<hbm>>
        %dma_start3A_83 = tpu.memref_squeeze %dma_start3A_82 : memref<1x128x32xf32, #tpu.memory_space<hbm>> -> memref<128x32xf32, #tpu.memory_space<hbm>>
        %dma_start3A_84 = arith.constant 0 : i32
        %dma_start3A_85 = arith.constant 0 : i32
        %dma_start3A_86 = tpu.memref_slice %arg4[%add3A_66, %dma_start3A_84, %dma_start3A_85] : memref<1600x128x32xf32, #tpu.memory_space<hbm>> -> memref<1x128x32xf32, #tpu.memory_space<hbm>>
        %dma_start3A_87 = tpu.memref_squeeze %dma_start3A_86 : memref<1x128x32xf32, #tpu.memory_space<hbm>> -> memref<128x32xf32, #tpu.memory_space<hbm>>
        %dma_start3A_88 = arith.constant 0 : i32
        %dma_start3A_89 = arith.constant 0 : i32
        %dma_start3A_90 = tpu.memref_slice %arg6[%run_scoped3A_67, %dma_start3A_88, %dma_start3A_89] : memref<2x128x32xf32, #tpu.memory_space<vmem>> -> memref<1x128x32xf32, #tpu.memory_space<vmem>>
        %dma_start3A_91 = tpu.memref_squeeze %dma_start3A_90 : memref<1x128x32xf32, #tpu.memory_space<vmem>> -> memref<128x32xf32, #tpu.memory_space<vmem>>
        tpu.enqueue_dma source(%dma_start3A_91 : memref<128x32xf32, #tpu.memory_space<vmem>>) target(%dma_start3A_87 : memref<128x32xf32, #tpu.memory_space<hbm>>) target_semaphore(%run_scoped3A_75 : memref<!tpu.dma_semaphore, #tpu.memory_space<semaphore_mem>>)
        %dma_wait3A_92 = arith.constant 0 : i32
        %dma_wait3A_93 = arith.constant 0 : i32
        %dma_wait3A_94 = tpu.memref_slice %arg6[%run_scoped3A_67, %dma_wait3A_92, %dma_wait3A_93] : memref<2x128x32xf32, #tpu.memory_space<vmem>> -> memref<1x128x32xf32, #tpu.memory_space<vmem>>
        %dma_wait3A_95 = tpu.memref_squeeze %dma_wait3A_94 : memref<1x128x32xf32, #tpu.memory_space<vmem>> -> memref<128x32xf32, #tpu.memory_space<vmem>>
        %dma_wait3A_96 = arith.constant 0 : i32
        %dma_wait3A_97 = arith.constant 0 : i32
        %dma_wait3A_98 = tpu.memref_slice %arg4[%add3A_66, %dma_wait3A_96, %dma_wait3A_97] : memref<1600x128x32xf32, #tpu.memory_space<hbm>> -> memref<1x128x32xf32, #tpu.memory_space<hbm>>
        %dma_wait3A_99 = tpu.memref_squeeze %dma_wait3A_98 : memref<1x128x32xf32, #tpu.memory_space<hbm>> -> memref<128x32xf32, #tpu.memory_space<hbm>>
        %dma_wait3A_100 = arith.constant 0 : i32
        %dma_wait3A_101 = arith.constant 0 : i32
        %dma_wait3A_102 = tpu.memref_slice %arg4[%add3A_66, %dma_wait3A_100, %dma_wait3A_101] : memref<1600x128x32xf32, #tpu.memory_space<hbm>> -> memref<1x128x32xf32, #tpu.memory_space<hbm>>
        %dma_wait3A_103 = tpu.memref_squeeze %dma_wait3A_102 : memref<1x128x32xf32, #tpu.memory_space<hbm>> -> memref<128x32xf32, #tpu.memory_space<hbm>>
        %dma_wait3A_104 = arith.constant 0 : i32
        %dma_wait3A_105 = arith.constant 0 : i32
        %dma_wait3A_106 = tpu.memref_slice %arg6[%run_scoped3A_67, %dma_wait3A_104, %dma_wait3A_105] : memref<2x128x32xf32, #tpu.memory_space<vmem>> -> memref<1x128x32xf32, #tpu.memory_space<vmem>>
        %dma_wait3A_107 = tpu.memref_squeeze %dma_wait3A_106 : memref<1x128x32xf32, #tpu.memory_space<vmem>> -> memref<128x32xf32, #tpu.memory_space<vmem>>
        tpu.wait_dma2 semaphore(%run_scoped3A_75 : memref<!tpu.dma_semaphore, #tpu.memory_space<semaphore_mem>>) src(%dma_wait3A_107 : memref<128x32xf32, #tpu.memory_space<vmem>>) dst(%dma_wait3A_103 : memref<128x32xf32, #tpu.memory_space<hbm>>)
        tpu.yield
      }) : () -> ()
      %add3A_68 = arith.constant 2 : i32
      %add3A_69 = arith.addi %add3A_54, %add3A_68 : i32
      %lt3A_70 = arith.constant 50 : i32
      %lt3A_71 = arith.cmpi slt, %add3A_69, %lt3A_70 : i32
      %convert_element_type3A_72 = arith.extui %lt3A_71 : i1 to i32
      %cond3A_73 = arith.constant 0 : i32
      %cond3A_74 = arith.cmpi ne, %convert_element_type3A_72, %cond3A_73 : i32
      scf.if %cond3A_74 {
        %dma_start3A_75 = arith.constant 1 : i32
        %dma_start3A_76 = arith.constant 0 : i32
        %dma_start3A_77 = arith.constant 0 : i32
        %dma_start3A_78 = tpu.memref_slice %arg6[%dma_start3A_75, %dma_start3A_76, %dma_start3A_77] : memref<2x128x32xf32, #tpu.memory_space<vmem>> -> memref<1x128x32xf32, #tpu.memory_space<vmem>>
        %dma_start3A_79 = tpu.memref_squeeze %dma_start3A_78 : memref<1x128x32xf32, #tpu.memory_space<vmem>> -> memref<128x32xf32, #tpu.memory_space<vmem>>
        %dma_start3A_80 = arith.constant 0 : i32
        %dma_start3A_81 = tpu.memref_slice %arg5[%add3A_69, %dma_start3A_80] : memref<50x128xi32, #tpu.memory_space<vmem>> -> memref<1x128xi32, #tpu.memory_space<vmem>>
        %dma_start3A_82 = tpu.memref_squeeze %dma_start3A_81 : memref<1x128xi32, #tpu.memory_space<vmem>> -> memref<128xi32, #tpu.memory_space<vmem>>
        %dma_start3A_83 = arith.constant 0 : i32
        %dma_start3A_84 = arith.constant 0 : i32
        %dma_start3A_85 = tpu.memref_slice %arg3[%dma_start3A_83, %dma_start3A_84] : memref<1015808x32xf32, #tpu.memory_space<hbm>> -> memref<1015808x32xf32, #tpu.memory_space<hbm>>
        tpu.enqueue_indirect_dma source(%dma_start3A_85 : memref<1015808x32xf32, #tpu.memory_space<hbm>>) target(%dma_start3A_79 : memref<128x32xf32, #tpu.memory_space<vmem>>) offsets(%dma_start3A_82 : memref<128xi32, #tpu.memory_space<vmem>>) semaphore(%arg8 : memref<!tpu.dma_semaphore, #tpu.memory_space<semaphore_mem>>)
      } else {
      }
    }
    %scan3A_30 = arith.constant 25 : i32
    return
  }
}

module attributes {stable_mosaic.version = 14 : i64} {
  func.func @_relayout_body(%arg0: i32, %arg1: memref<32x32768xf32, #tpu.memory_space<vmem>>, %arg2: memref<8192x128xf32, #tpu.memory_space<vmem>>) attributes {dimension_semantics = [#tpu.dimension_semantics<arbitrary>], iteration_bounds = array<i64: 31>, scalar_prefetch = 0 : i64, scratch_operands = 0 : i64, tpu.core_type = #tpu.core_type<tc>, window_params = [{transform_indices = @transform_0, window_bounds = array<i64: 32, 32768>}, {transform_indices = @transform_1, window_bounds = array<i64: 8192, 128>}]} {
    %get3A = arith.constant 0 : index
    %get3A_0 = arith.constant 0 : index
    %get3A_1 = vector.load %arg1[%get3A, %get3A_0] : memref<32x32768xf32, #tpu.memory_space<vmem>>, vector<32x32768xf32>
    %iota3A = tpu.iota {dimensions = array<i32: 0>} : vector<128x128xi32>
    %iota3A_2 = tpu.iota {dimensions = array<i32: 1>} : vector<128x128xi32>
    %eq3A = arith.cmpi eq, %iota3A, %iota3A_2 : vector<128x128xi32>
    %jit3A = arith.constant 1.000000e+00 : f32
    %jit3A_3 = arith.constant 0.000000e+00 : f32
    %broadcast_in_dim3A = vector.broadcast %jit3A : f32 to vector<128x128xf32>
    %broadcast_in_dim3A_4 = vector.broadcast %jit3A_3 : f32 to vector<128x128xf32>
    %select_n3A = arith.select %eq3A, %broadcast_in_dim3A, %broadcast_in_dim3A_4 : vector<128x128xi1>, vector<128x128xf32>
    %slice3A = vector.extract_strided_slice %get3A_1 {offsets = [0, 0], sizes = [32, 128], strides = [1, 1]} : vector<32x32768xf32> to vector<32x128xf32>
    %dot_general3A = arith.constant dense<0.000000e+00> : vector<128x32xf32>
    %dot_general3A_5 = tpu.matmul %select_n3A, %slice3A, %dot_general3A {dimension_numbers = #tpu.dot_dimension_numbers<[1], [1], [0], [0], [0, 0, 1, 0], [], []>, transpose_lhs_hint = false} : vector<128x128xf32>, vector<32x128xf32>, vector<128x32xf32> -> vector<128x32xf32>
    %slice3A_6 = vector.extract_strided_slice %get3A_1 {offsets = [0, 128], sizes = [32, 128], strides = [1, 1]} : vector<32x32768xf32> to vector<32x128xf32>
    %dot_general3A_7 = arith.constant dense<0.000000e+00> : vector<128x32xf32>
    %dot_general3A_8 = tpu.matmul %select_n3A, %slice3A_6, %dot_general3A_7 {dimension_numbers = #tpu.dot_dimension_numbers<[1], [1], [0], [0], [0, 0, 1, 0], [], []>, transpose_lhs_hint = false} : vector<128x128xf32>, vector<32x128xf32>, vector<128x32xf32> -> vector<128x32xf32>
    %slice3A_9 = vector.extract_strided_slice %get3A_1 {offsets = [0, 256], sizes = [32, 128], strides = [1, 1]} : vector<32x32768xf32> to vector<32x128xf32>
    %dot_general3A_10 = arith.constant dense<0.000000e+00> : vector<128x32xf32>
    %dot_general3A_11 = tpu.matmul %select_n3A, %slice3A_9, %dot_general3A_10 {dimension_numbers = #tpu.dot_dimension_numbers<[1], [1], [0], [0], [0, 0, 1, 0], [], []>, transpose_lhs_hint = false} : vector<128x128xf32>, vector<32x128xf32>, vector<128x32xf32> -> vector<128x32xf32>
    %slice3A_12 = vector.extract_strided_slice %get3A_1 {offsets = [0, 384], sizes = [32, 128], strides = [1, 1]} : vector<32x32768xf32> to vector<32x128xf32>
    %dot_general3A_13 = arith.constant dense<0.000000e+00> : vector<128x32xf32>
    %dot_general3A_14 = tpu.matmul %select_n3A, %slice3A_12, %dot_general3A_13 {dimension_numbers = #tpu.dot_dimension_numbers<[1], [1], [0], [0], [0, 0, 1, 0], [], []>, transpose_lhs_hint = false} : vector<128x128xf32>, vector<32x128xf32>, vector<128x32xf32> -> vector<128x32xf32>
    %slice3A_15 = vector.extract_strided_slice %get3A_1 {offsets = [0, 512], sizes = [32, 128], strides = [1, 1]} : vector<32x32768xf32> to vector<32x128xf32>
    %dot_general3A_16 = arith.constant dense<0.000000e+00> : vector<128x32xf32>
    %dot_general3A_17 = tpu.matmul %select_n3A, %slice3A_15, %dot_general3A_16 {dimension_numbers = #tpu.dot_dimension_numbers<[1], [1], [0], [0], [0, 0, 1, 0], [], []>, transpose_lhs_hint = false} : vector<128x128xf32>, vector<32x128xf32>, vector<128x32xf32> -> vector<128x32xf32>
    %slice3A_18 = vector.extract_strided_slice %get3A_1 {offsets = [0, 640], sizes = [32, 128], strides = [1, 1]} : vector<32x32768xf32> to vector<32x128xf32>
    %dot_general3A_19 = arith.constant dense<0.000000e+00> : vector<128x32xf32>
    %dot_general3A_20 = tpu.matmul %select_n3A, %slice3A_18, %dot_general3A_19 {dimension_numbers = #tpu.dot_dimension_numbers<[1], [1], [0], [0], [0, 0, 1, 0], [], []>, transpose_lhs_hint = false} : vector<128x128xf32>, vector<32x128xf32>, vector<128x32xf32> -> vector<128x32xf32>
    %slice3A_21 = vector.extract_strided_slice %get3A_1 {offsets = [0, 768], sizes = [32, 128], strides = [1, 1]} : vector<32x32768xf32> to vector<32x128xf32>
    %dot_general3A_22 = arith.constant dense<0.000000e+00> : vector<128x32xf32>
    %dot_general3A_23 = tpu.matmul %select_n3A, %slice3A_21, %dot_general3A_22 {dimension_numbers = #tpu.dot_dimension_numbers<[1], [1], [0], [0], [0, 0, 1, 0], [], []>, transpose_lhs_hint = false} : vector<128x128xf32>, vector<32x128xf32>, vector<128x32xf32> -> vector<128x32xf32>
    %slice3A_24 = vector.extract_strided_slice %get3A_1 {offsets = [0, 896], sizes = [32, 128], strides = [1, 1]} : vector<32x32768xf32> to vector<32x128xf32>
    %dot_general3A_25 = arith.constant dense<0.000000e+00> : vector<128x32xf32>
    %dot_general3A_26 = tpu.matmul %select_n3A, %slice3A_24, %dot_general3A_25 {dimension_numbers = #tpu.dot_dimension_numbers<[1], [1], [0], [0], [0, 0, 1, 0], [], []>, transpose_lhs_hint = false} : vector<128x128xf32>, vector<32x128xf32>, vector<128x32xf32> -> vector<128x32xf32>
    %slice3A_27 = vector.extract_strided_slice %get3A_1 {offsets = [0, 1024], sizes = [32, 128], strides = [1, 1]} : vector<32x32768xf32> to vector<32x128xf32>
    %dot_general3A_28 = arith.constant dense<0.000000e+00> : vector<128x32xf32>
    %dot_general3A_29 = tpu.matmul %select_n3A, %slice3A_27, %dot_general3A_28 {dimension_numbers = #tpu.dot_dimension_numbers<[1], [1], [0], [0], [0, 0, 1, 0], [], []>, transpose_lhs_hint = false} : vector<128x128xf32>, vector<32x128xf32>, vector<128x32xf32> -> vector<128x32xf32>
    %slice3A_30 = vector.extract_strided_slice %get3A_1 {offsets = [0, 1152], sizes = [32, 128], strides = [1, 1]} : vector<32x32768xf32> to vector<32x128xf32>
    %dot_general3A_31 = arith.constant dense<0.000000e+00> : vector<128x32xf32>
    %dot_general3A_32 = tpu.matmul %select_n3A, %slice3A_30, %dot_general3A_31 {dimension_numbers = #tpu.dot_dimension_numbers<[1], [1], [0], [0], [0, 0, 1, 0], [], []>, transpose_lhs_hint = false} : vector<128x128xf32>, vector<32x128xf32>, vector<128x32xf32> -> vector<128x32xf32>
    %slice3A_33 = vector.extract_strided_slice %get3A_1 {offsets = [0, 1280], sizes = [32, 128], strides = [1, 1]} : vector<32x32768xf32> to vector<32x128xf32>
    %dot_general3A_34 = arith.constant dense<0.000000e+00> : vector<128x32xf32>
    %dot_general3A_35 = tpu.matmul %select_n3A, %slice3A_33, %dot_general3A_34 {dimension_numbers = #tpu.dot_dimension_numbers<[1], [1], [0], [0], [0, 0, 1, 0], [], []>, transpose_lhs_hint = false} : vector<128x128xf32>, vector<32x128xf32>, vector<128x32xf32> -> vector<128x32xf32>
    %slice3A_36 = vector.extract_strided_slice %get3A_1 {offsets = [0, 1408], sizes = [32, 128], strides = [1, 1]} : vector<32x32768xf32> to vector<32x128xf32>
    %dot_general3A_37 = arith.constant dense<0.000000e+00> : vector<128x32xf32>
    %dot_general3A_38 = tpu.matmul %select_n3A, %slice3A_36, %dot_general3A_37 {dimension_numbers = #tpu.dot_dimension_numbers<[1], [1], [0], [0], [0, 0, 1, 0], [], []>, transpose_lhs_hint = false} : vector<128x128xf32>, vector<32x128xf32>, vector<128x32xf32> -> vector<128x32xf32>
    %slice3A_39 = vector.extract_strided_slice %get3A_1 {offsets = [0, 1536], sizes = [32, 128], strides = [1, 1]} : vector<32x32768xf32> to vector<32x128xf32>
    %dot_general3A_40 = arith.constant dense<0.000000e+00> : vector<128x32xf32>
    %dot_general3A_41 = tpu.matmul %select_n3A, %slice3A_39, %dot_general3A_40 {dimension_numbers = #tpu.dot_dimension_numbers<[1], [1], [0], [0], [0, 0, 1, 0], [], []>, transpose_lhs_hint = false} : vector<128x128xf32>, vector<32x128xf32>, vector<128x32xf32> -> vector<128x32xf32>
    %slice3A_42 = vector.extract_strided_slice %get3A_1 {offsets = [0, 1664], sizes = [32, 128], strides = [1, 1]} : vector<32x32768xf32> to vector<32x128xf32>
    %dot_general3A_43 = arith.constant dense<0.000000e+00> : vector<128x32xf32>
    %dot_general3A_44 = tpu.matmul %select_n3A, %slice3A_42, %dot_general3A_43 {dimension_numbers = #tpu.dot_dimension_numbers<[1], [1], [0], [0], [0, 0, 1, 0], [], []>, transpose_lhs_hint = false} : vector<128x128xf32>, vector<32x128xf32>, vector<128x32xf32> -> vector<128x32xf32>
    %slice3A_45 = vector.extract_strided_slice %get3A_1 {offsets = [0, 1792], sizes = [32, 128], strides = [1, 1]} : vector<32x32768xf32> to vector<32x128xf32>
    %dot_general3A_46 = arith.constant dense<0.000000e+00> : vector<128x32xf32>
    %dot_general3A_47 = tpu.matmul %select_n3A, %slice3A_45, %dot_general3A_46 {dimension_numbers = #tpu.dot_dimension_numbers<[1], [1], [0], [0], [0, 0, 1, 0], [], []>, transpose_lhs_hint = false} : vector<128x128xf32>, vector<32x128xf32>, vector<128x32xf32> -> vector<128x32xf32>
    %slice3A_48 = vector.extract_strided_slice %get3A_1 {offsets = [0, 1920], sizes = [32, 128], strides = [1, 1]} : vector<32x32768xf32> to vector<32x128xf32>
    %dot_general3A_49 = arith.constant dense<0.000000e+00> : vector<128x32xf32>
    %dot_general3A_50 = tpu.matmul %select_n3A, %slice3A_48, %dot_general3A_49 {dimension_numbers = #tpu.dot_dimension_numbers<[1], [1], [0], [0], [0, 0, 1, 0], [], []>, transpose_lhs_hint = false} : vector<128x128xf32>, vector<32x128xf32>, vector<128x32xf32> -> vector<128x32xf32>
    %slice3A_51 = vector.extract_strided_slice %get3A_1 {offsets = [0, 2048], sizes = [32, 128], strides = [1, 1]} : vector<32x32768xf32> to vector<32x128xf32>
    %dot_general3A_52 = arith.constant dense<0.000000e+00> : vector<128x32xf32>
    %dot_general3A_53 = tpu.matmul %select_n3A, %slice3A_51, %dot_general3A_52 {dimension_numbers = #tpu.dot_dimension_numbers<[1], [1], [0], [0], [0, 0, 1, 0], [], []>, transpose_lhs_hint = false} : vector<128x128xf32>, vector<32x128xf32>, vector<128x32xf32> -> vector<128x32xf32>
    %slice3A_54 = vector.extract_strided_slice %get3A_1 {offsets = [0, 2176], sizes = [32, 128], strides = [1, 1]} : vector<32x32768xf32> to vector<32x128xf32>
    %dot_general3A_55 = arith.constant dense<0.000000e+00> : vector<128x32xf32>
    %dot_general3A_56 = tpu.matmul %select_n3A, %slice3A_54, %dot_general3A_55 {dimension_numbers = #tpu.dot_dimension_numbers<[1], [1], [0], [0], [0, 0, 1, 0], [], []>, transpose_lhs_hint = false} : vector<128x128xf32>, vector<32x128xf32>, vector<128x32xf32> -> vector<128x32xf32>
    %slice3A_57 = vector.extract_strided_slice %get3A_1 {offsets = [0, 2304], sizes = [32, 128], strides = [1, 1]} : vector<32x32768xf32> to vector<32x128xf32>
    %dot_general3A_58 = arith.constant dense<0.000000e+00> : vector<128x32xf32>
    %dot_general3A_59 = tpu.matmul %select_n3A, %slice3A_57, %dot_general3A_58 {dimension_numbers = #tpu.dot_dimension_numbers<[1], [1], [0], [0], [0, 0, 1, 0], [], []>, transpose_lhs_hint = false} : vector<128x128xf32>, vector<32x128xf32>, vector<128x32xf32> -> vector<128x32xf32>
    %slice3A_60 = vector.extract_strided_slice %get3A_1 {offsets = [0, 2432], sizes = [32, 128], strides = [1, 1]} : vector<32x32768xf32> to vector<32x128xf32>
    %dot_general3A_61 = arith.constant dense<0.000000e+00> : vector<128x32xf32>
    %dot_general3A_62 = tpu.matmul %select_n3A, %slice3A_60, %dot_general3A_61 {dimension_numbers = #tpu.dot_dimension_numbers<[1], [1], [0], [0], [0, 0, 1, 0], [], []>, transpose_lhs_hint = false} : vector<128x128xf32>, vector<32x128xf32>, vector<128x32xf32> -> vector<128x32xf32>
    %slice3A_63 = vector.extract_strided_slice %get3A_1 {offsets = [0, 2560], sizes = [32, 128], strides = [1, 1]} : vector<32x32768xf32> to vector<32x128xf32>
    %dot_general3A_64 = arith.constant dense<0.000000e+00> : vector<128x32xf32>
    %dot_general3A_65 = tpu.matmul %select_n3A, %slice3A_63, %dot_general3A_64 {dimension_numbers = #tpu.dot_dimension_numbers<[1], [1], [0], [0], [0, 0, 1, 0], [], []>, transpose_lhs_hint = false} : vector<128x128xf32>, vector<32x128xf32>, vector<128x32xf32> -> vector<128x32xf32>
    %slice3A_66 = vector.extract_strided_slice %get3A_1 {offsets = [0, 2688], sizes = [32, 128], strides = [1, 1]} : vector<32x32768xf32> to vector<32x128xf32>
    %dot_general3A_67 = arith.constant dense<0.000000e+00> : vector<128x32xf32>
    %dot_general3A_68 = tpu.matmul %select_n3A, %slice3A_66, %dot_general3A_67 {dimension_numbers = #tpu.dot_dimension_numbers<[1], [1], [0], [0], [0, 0, 1, 0], [], []>, transpose_lhs_hint = false} : vector<128x128xf32>, vector<32x128xf32>, vector<128x32xf32> -> vector<128x32xf32>
    %slice3A_69 = vector.extract_strided_slice %get3A_1 {offsets = [0, 2816], sizes = [32, 128], strides = [1, 1]} : vector<32x32768xf32> to vector<32x128xf32>
    %dot_general3A_70 = arith.constant dense<0.000000e+00> : vector<128x32xf32>
    %dot_general3A_71 = tpu.matmul %select_n3A, %slice3A_69, %dot_general3A_70 {dimension_numbers = #tpu.dot_dimension_numbers<[1], [1], [0], [0], [0, 0, 1, 0], [], []>, transpose_lhs_hint = false} : vector<128x128xf32>, vector<32x128xf32>, vector<128x32xf32> -> vector<128x32xf32>
    %slice3A_72 = vector.extract_strided_slice %get3A_1 {offsets = [0, 2944], sizes = [32, 128], strides = [1, 1]} : vector<32x32768xf32> to vector<32x128xf32>
    %dot_general3A_73 = arith.constant dense<0.000000e+00> : vector<128x32xf32>
    %dot_general3A_74 = tpu.matmul %select_n3A, %slice3A_72, %dot_general3A_73 {dimension_numbers = #tpu.dot_dimension_numbers<[1], [1], [0], [0], [0, 0, 1, 0], [], []>, transpose_lhs_hint = false} : vector<128x128xf32>, vector<32x128xf32>, vector<128x32xf32> -> vector<128x32xf32>
    %slice3A_75 = vector.extract_strided_slice %get3A_1 {offsets = [0, 3072], sizes = [32, 128], strides = [1, 1]} : vector<32x32768xf32> to vector<32x128xf32>
    %dot_general3A_76 = arith.constant dense<0.000000e+00> : vector<128x32xf32>
    %dot_general3A_77 = tpu.matmul %select_n3A, %slice3A_75, %dot_general3A_76 {dimension_numbers = #tpu.dot_dimension_numbers<[1], [1], [0], [0], [0, 0, 1, 0], [], []>, transpose_lhs_hint = false} : vector<128x128xf32>, vector<32x128xf32>, vector<128x32xf32> -> vector<128x32xf32>
    %slice3A_78 = vector.extract_strided_slice %get3A_1 {offsets = [0, 3200], sizes = [32, 128], strides = [1, 1]} : vector<32x32768xf32> to vector<32x128xf32>
    %dot_general3A_79 = arith.constant dense<0.000000e+00> : vector<128x32xf32>
    %dot_general3A_80 = tpu.matmul %select_n3A, %slice3A_78, %dot_general3A_79 {dimension_numbers = #tpu.dot_dimension_numbers<[1], [1], [0], [0], [0, 0, 1, 0], [], []>, transpose_lhs_hint = false} : vector<128x128xf32>, vector<32x128xf32>, vector<128x32xf32> -> vector<128x32xf32>
    %slice3A_81 = vector.extract_strided_slice %get3A_1 {offsets = [0, 3328], sizes = [32, 128], strides = [1, 1]} : vector<32x32768xf32> to vector<32x128xf32>
    %dot_general3A_82 = arith.constant dense<0.000000e+00> : vector<128x32xf32>
    %dot_general3A_83 = tpu.matmul %select_n3A, %slice3A_81, %dot_general3A_82 {dimension_numbers = #tpu.dot_dimension_numbers<[1], [1], [0], [0], [0, 0, 1, 0], [], []>, transpose_lhs_hint = false} : vector<128x128xf32>, vector<32x128xf32>, vector<128x32xf32> -> vector<128x32xf32>
    %slice3A_84 = vector.extract_strided_slice %get3A_1 {offsets = [0, 3456], sizes = [32, 128], strides = [1, 1]} : vector<32x32768xf32> to vector<32x128xf32>
    %dot_general3A_85 = arith.constant dense<0.000000e+00> : vector<128x32xf32>
    %dot_general3A_86 = tpu.matmul %select_n3A, %slice3A_84, %dot_general3A_85 {dimension_numbers = #tpu.dot_dimension_numbers<[1], [1], [0], [0], [0, 0, 1, 0], [], []>, transpose_lhs_hint = false} : vector<128x128xf32>, vector<32x128xf32>, vector<128x32xf32> -> vector<128x32xf32>
    %slice3A_87 = vector.extract_strided_slice %get3A_1 {offsets = [0, 3584], sizes = [32, 128], strides = [1, 1]} : vector<32x32768xf32> to vector<32x128xf32>
    %dot_general3A_88 = arith.constant dense<0.000000e+00> : vector<128x32xf32>
    %dot_general3A_89 = tpu.matmul %select_n3A, %slice3A_87, %dot_general3A_88 {dimension_numbers = #tpu.dot_dimension_numbers<[1], [1], [0], [0], [0, 0, 1, 0], [], []>, transpose_lhs_hint = false} : vector<128x128xf32>, vector<32x128xf32>, vector<128x32xf32> -> vector<128x32xf32>
    %slice3A_90 = vector.extract_strided_slice %get3A_1 {offsets = [0, 3712], sizes = [32, 128], strides = [1, 1]} : vector<32x32768xf32> to vector<32x128xf32>
    %dot_general3A_91 = arith.constant dense<0.000000e+00> : vector<128x32xf32>
    %dot_general3A_92 = tpu.matmul %select_n3A, %slice3A_90, %dot_general3A_91 {dimension_numbers = #tpu.dot_dimension_numbers<[1], [1], [0], [0], [0, 0, 1, 0], [], []>, transpose_lhs_hint = false} : vector<128x128xf32>, vector<32x128xf32>, vector<128x32xf32> -> vector<128x32xf32>
    %slice3A_93 = vector.extract_strided_slice %get3A_1 {offsets = [0, 3840], sizes = [32, 128], strides = [1, 1]} : vector<32x32768xf32> to vector<32x128xf32>
    %dot_general3A_94 = arith.constant dense<0.000000e+00> : vector<128x32xf32>
    %dot_general3A_95 = tpu.matmul %select_n3A, %slice3A_93, %dot_general3A_94 {dimension_numbers = #tpu.dot_dimension_numbers<[1], [1], [0], [0], [0, 0, 1, 0], [], []>, transpose_lhs_hint = false} : vector<128x128xf32>, vector<32x128xf32>, vector<128x32xf32> -> vector<128x32xf32>
    %slice3A_96 = vector.extract_strided_slice %get3A_1 {offsets = [0, 3968], sizes = [32, 128], strides = [1, 1]} : vector<32x32768xf32> to vector<32x128xf32>
    %dot_general3A_97 = arith.constant dense<0.000000e+00> : vector<128x32xf32>
    %dot_general3A_98 = tpu.matmul %select_n3A, %slice3A_96, %dot_general3A_97 {dimension_numbers = #tpu.dot_dimension_numbers<[1], [1], [0], [0], [0, 0, 1, 0], [], []>, transpose_lhs_hint = false} : vector<128x128xf32>, vector<32x128xf32>, vector<128x32xf32> -> vector<128x32xf32>
    %slice3A_99 = vector.extract_strided_slice %get3A_1 {offsets = [0, 4096], sizes = [32, 128], strides = [1, 1]} : vector<32x32768xf32> to vector<32x128xf32>
    %dot_general3A_100 = arith.constant dense<0.000000e+00> : vector<128x32xf32>
    %dot_general3A_101 = tpu.matmul %select_n3A, %slice3A_99, %dot_general3A_100 {dimension_numbers = #tpu.dot_dimension_numbers<[1], [1], [0], [0], [0, 0, 1, 0], [], []>, transpose_lhs_hint = false} : vector<128x128xf32>, vector<32x128xf32>, vector<128x32xf32> -> vector<128x32xf32>
    %slice3A_102 = vector.extract_strided_slice %get3A_1 {offsets = [0, 4224], sizes = [32, 128], strides = [1, 1]} : vector<32x32768xf32> to vector<32x128xf32>
    %dot_general3A_103 = arith.constant dense<0.000000e+00> : vector<128x32xf32>
    %dot_general3A_104 = tpu.matmul %select_n3A, %slice3A_102, %dot_general3A_103 {dimension_numbers = #tpu.dot_dimension_numbers<[1], [1], [0], [0], [0, 0, 1, 0], [], []>, transpose_lhs_hint = false} : vector<128x128xf32>, vector<32x128xf32>, vector<128x32xf32> -> vector<128x32xf32>
    %slice3A_105 = vector.extract_strided_slice %get3A_1 {offsets = [0, 4352], sizes = [32, 128], strides = [1, 1]} : vector<32x32768xf32> to vector<32x128xf32>
    %dot_general3A_106 = arith.constant dense<0.000000e+00> : vector<128x32xf32>
    %dot_general3A_107 = tpu.matmul %select_n3A, %slice3A_105, %dot_general3A_106 {dimension_numbers = #tpu.dot_dimension_numbers<[1], [1], [0], [0], [0, 0, 1, 0], [], []>, transpose_lhs_hint = false} : vector<128x128xf32>, vector<32x128xf32>, vector<128x32xf32> -> vector<128x32xf32>
    %slice3A_108 = vector.extract_strided_slice %get3A_1 {offsets = [0, 4480], sizes = [32, 128], strides = [1, 1]} : vector<32x32768xf32> to vector<32x128xf32>
    %dot_general3A_109 = arith.constant dense<0.000000e+00> : vector<128x32xf32>
    %dot_general3A_110 = tpu.matmul %select_n3A, %slice3A_108, %dot_general3A_109 {dimension_numbers = #tpu.dot_dimension_numbers<[1], [1], [0], [0], [0, 0, 1, 0], [], []>, transpose_lhs_hint = false} : vector<128x128xf32>, vector<32x128xf32>, vector<128x32xf32> -> vector<128x32xf32>
    %slice3A_111 = vector.extract_strided_slice %get3A_1 {offsets = [0, 4608], sizes = [32, 128], strides = [1, 1]} : vector<32x32768xf32> to vector<32x128xf32>
    %dot_general3A_112 = arith.constant dense<0.000000e+00> : vector<128x32xf32>
    %dot_general3A_113 = tpu.matmul %select_n3A, %slice3A_111, %dot_general3A_112 {dimension_numbers = #tpu.dot_dimension_numbers<[1], [1], [0], [0], [0, 0, 1, 0], [], []>, transpose_lhs_hint = false} : vector<128x128xf32>, vector<32x128xf32>, vector<128x32xf32> -> vector<128x32xf32>
    %slice3A_114 = vector.extract_strided_slice %get3A_1 {offsets = [0, 4736], sizes = [32, 128], strides = [1, 1]} : vector<32x32768xf32> to vector<32x128xf32>
    %dot_general3A_115 = arith.constant dense<0.000000e+00> : vector<128x32xf32>
    %dot_general3A_116 = tpu.matmul %select_n3A, %slice3A_114, %dot_general3A_115 {dimension_numbers = #tpu.dot_dimension_numbers<[1], [1], [0], [0], [0, 0, 1, 0], [], []>, transpose_lhs_hint = false} : vector<128x128xf32>, vector<32x128xf32>, vector<128x32xf32> -> vector<128x32xf32>
    %slice3A_117 = vector.extract_strided_slice %get3A_1 {offsets = [0, 4864], sizes = [32, 128], strides = [1, 1]} : vector<32x32768xf32> to vector<32x128xf32>
    %dot_general3A_118 = arith.constant dense<0.000000e+00> : vector<128x32xf32>
    %dot_general3A_119 = tpu.matmul %select_n3A, %slice3A_117, %dot_general3A_118 {dimension_numbers = #tpu.dot_dimension_numbers<[1], [1], [0], [0], [0, 0, 1, 0], [], []>, transpose_lhs_hint = false} : vector<128x128xf32>, vector<32x128xf32>, vector<128x32xf32> -> vector<128x32xf32>
    %slice3A_120 = vector.extract_strided_slice %get3A_1 {offsets = [0, 4992], sizes = [32, 128], strides = [1, 1]} : vector<32x32768xf32> to vector<32x128xf32>
    %dot_general3A_121 = arith.constant dense<0.000000e+00> : vector<128x32xf32>
    %dot_general3A_122 = tpu.matmul %select_n3A, %slice3A_120, %dot_general3A_121 {dimension_numbers = #tpu.dot_dimension_numbers<[1], [1], [0], [0], [0, 0, 1, 0], [], []>, transpose_lhs_hint = false} : vector<128x128xf32>, vector<32x128xf32>, vector<128x32xf32> -> vector<128x32xf32>
    %slice3A_123 = vector.extract_strided_slice %get3A_1 {offsets = [0, 5120], sizes = [32, 128], strides = [1, 1]} : vector<32x32768xf32> to vector<32x128xf32>
    %dot_general3A_124 = arith.constant dense<0.000000e+00> : vector<128x32xf32>
    %dot_general3A_125 = tpu.matmul %select_n3A, %slice3A_123, %dot_general3A_124 {dimension_numbers = #tpu.dot_dimension_numbers<[1], [1], [0], [0], [0, 0, 1, 0], [], []>, transpose_lhs_hint = false} : vector<128x128xf32>, vector<32x128xf32>, vector<128x32xf32> -> vector<128x32xf32>
    %slice3A_126 = vector.extract_strided_slice %get3A_1 {offsets = [0, 5248], sizes = [32, 128], strides = [1, 1]} : vector<32x32768xf32> to vector<32x128xf32>
    %dot_general3A_127 = arith.constant dense<0.000000e+00> : vector<128x32xf32>
    %dot_general3A_128 = tpu.matmul %select_n3A, %slice3A_126, %dot_general3A_127 {dimension_numbers = #tpu.dot_dimension_numbers<[1], [1], [0], [0], [0, 0, 1, 0], [], []>, transpose_lhs_hint = false} : vector<128x128xf32>, vector<32x128xf32>, vector<128x32xf32> -> vector<128x32xf32>
    %slice3A_129 = vector.extract_strided_slice %get3A_1 {offsets = [0, 5376], sizes = [32, 128], strides = [1, 1]} : vector<32x32768xf32> to vector<32x128xf32>
    %dot_general3A_130 = arith.constant dense<0.000000e+00> : vector<128x32xf32>
    %dot_general3A_131 = tpu.matmul %select_n3A, %slice3A_129, %dot_general3A_130 {dimension_numbers = #tpu.dot_dimension_numbers<[1], [1], [0], [0], [0, 0, 1, 0], [], []>, transpose_lhs_hint = false} : vector<128x128xf32>, vector<32x128xf32>, vector<128x32xf32> -> vector<128x32xf32>
    %slice3A_132 = vector.extract_strided_slice %get3A_1 {offsets = [0, 5504], sizes = [32, 128], strides = [1, 1]} : vector<32x32768xf32> to vector<32x128xf32>
    %dot_general3A_133 = arith.constant dense<0.000000e+00> : vector<128x32xf32>
    %dot_general3A_134 = tpu.matmul %select_n3A, %slice3A_132, %dot_general3A_133 {dimension_numbers = #tpu.dot_dimension_numbers<[1], [1], [0], [0], [0, 0, 1, 0], [], []>, transpose_lhs_hint = false} : vector<128x128xf32>, vector<32x128xf32>, vector<128x32xf32> -> vector<128x32xf32>
    %slice3A_135 = vector.extract_strided_slice %get3A_1 {offsets = [0, 5632], sizes = [32, 128], strides = [1, 1]} : vector<32x32768xf32> to vector<32x128xf32>
    %dot_general3A_136 = arith.constant dense<0.000000e+00> : vector<128x32xf32>
    %dot_general3A_137 = tpu.matmul %select_n3A, %slice3A_135, %dot_general3A_136 {dimension_numbers = #tpu.dot_dimension_numbers<[1], [1], [0], [0], [0, 0, 1, 0], [], []>, transpose_lhs_hint = false} : vector<128x128xf32>, vector<32x128xf32>, vector<128x32xf32> -> vector<128x32xf32>
    %slice3A_138 = vector.extract_strided_slice %get3A_1 {offsets = [0, 5760], sizes = [32, 128], strides = [1, 1]} : vector<32x32768xf32> to vector<32x128xf32>
    %dot_general3A_139 = arith.constant dense<0.000000e+00> : vector<128x32xf32>
    %dot_general3A_140 = tpu.matmul %select_n3A, %slice3A_138, %dot_general3A_139 {dimension_numbers = #tpu.dot_dimension_numbers<[1], [1], [0], [0], [0, 0, 1, 0], [], []>, transpose_lhs_hint = false} : vector<128x128xf32>, vector<32x128xf32>, vector<128x32xf32> -> vector<128x32xf32>
    %slice3A_141 = vector.extract_strided_slice %get3A_1 {offsets = [0, 5888], sizes = [32, 128], strides = [1, 1]} : vector<32x32768xf32> to vector<32x128xf32>
    %dot_general3A_142 = arith.constant dense<0.000000e+00> : vector<128x32xf32>
    %dot_general3A_143 = tpu.matmul %select_n3A, %slice3A_141, %dot_general3A_142 {dimension_numbers = #tpu.dot_dimension_numbers<[1], [1], [0], [0], [0, 0, 1, 0], [], []>, transpose_lhs_hint = false} : vector<128x128xf32>, vector<32x128xf32>, vector<128x32xf32> -> vector<128x32xf32>
    %slice3A_144 = vector.extract_strided_slice %get3A_1 {offsets = [0, 6016], sizes = [32, 128], strides = [1, 1]} : vector<32x32768xf32> to vector<32x128xf32>
    %dot_general3A_145 = arith.constant dense<0.000000e+00> : vector<128x32xf32>
    %dot_general3A_146 = tpu.matmul %select_n3A, %slice3A_144, %dot_general3A_145 {dimension_numbers = #tpu.dot_dimension_numbers<[1], [1], [0], [0], [0, 0, 1, 0], [], []>, transpose_lhs_hint = false} : vector<128x128xf32>, vector<32x128xf32>, vector<128x32xf32> -> vector<128x32xf32>
    %slice3A_147 = vector.extract_strided_slice %get3A_1 {offsets = [0, 6144], sizes = [32, 128], strides = [1, 1]} : vector<32x32768xf32> to vector<32x128xf32>
    %dot_general3A_148 = arith.constant dense<0.000000e+00> : vector<128x32xf32>
    %dot_general3A_149 = tpu.matmul %select_n3A, %slice3A_147, %dot_general3A_148 {dimension_numbers = #tpu.dot_dimension_numbers<[1], [1], [0], [0], [0, 0, 1, 0], [], []>, transpose_lhs_hint = false} : vector<128x128xf32>, vector<32x128xf32>, vector<128x32xf32> -> vector<128x32xf32>
    %slice3A_150 = vector.extract_strided_slice %get3A_1 {offsets = [0, 6272], sizes = [32, 128], strides = [1, 1]} : vector<32x32768xf32> to vector<32x128xf32>
    %dot_general3A_151 = arith.constant dense<0.000000e+00> : vector<128x32xf32>
    %dot_general3A_152 = tpu.matmul %select_n3A, %slice3A_150, %dot_general3A_151 {dimension_numbers = #tpu.dot_dimension_numbers<[1], [1], [0], [0], [0, 0, 1, 0], [], []>, transpose_lhs_hint = false} : vector<128x128xf32>, vector<32x128xf32>, vector<128x32xf32> -> vector<128x32xf32>
    %slice3A_153 = vector.extract_strided_slice %get3A_1 {offsets = [0, 6400], sizes = [32, 128], strides = [1, 1]} : vector<32x32768xf32> to vector<32x128xf32>
    %dot_general3A_154 = arith.constant dense<0.000000e+00> : vector<128x32xf32>
    %dot_general3A_155 = tpu.matmul %select_n3A, %slice3A_153, %dot_general3A_154 {dimension_numbers = #tpu.dot_dimension_numbers<[1], [1], [0], [0], [0, 0, 1, 0], [], []>, transpose_lhs_hint = false} : vector<128x128xf32>, vector<32x128xf32>, vector<128x32xf32> -> vector<128x32xf32>
    %slice3A_156 = vector.extract_strided_slice %get3A_1 {offsets = [0, 6528], sizes = [32, 128], strides = [1, 1]} : vector<32x32768xf32> to vector<32x128xf32>
    %dot_general3A_157 = arith.constant dense<0.000000e+00> : vector<128x32xf32>
    %dot_general3A_158 = tpu.matmul %select_n3A, %slice3A_156, %dot_general3A_157 {dimension_numbers = #tpu.dot_dimension_numbers<[1], [1], [0], [0], [0, 0, 1, 0], [], []>, transpose_lhs_hint = false} : vector<128x128xf32>, vector<32x128xf32>, vector<128x32xf32> -> vector<128x32xf32>
    %slice3A_159 = vector.extract_strided_slice %get3A_1 {offsets = [0, 6656], sizes = [32, 128], strides = [1, 1]} : vector<32x32768xf32> to vector<32x128xf32>
    %dot_general3A_160 = arith.constant dense<0.000000e+00> : vector<128x32xf32>
    %dot_general3A_161 = tpu.matmul %select_n3A, %slice3A_159, %dot_general3A_160 {dimension_numbers = #tpu.dot_dimension_numbers<[1], [1], [0], [0], [0, 0, 1, 0], [], []>, transpose_lhs_hint = false} : vector<128x128xf32>, vector<32x128xf32>, vector<128x32xf32> -> vector<128x32xf32>
    %slice3A_162 = vector.extract_strided_slice %get3A_1 {offsets = [0, 6784], sizes = [32, 128], strides = [1, 1]} : vector<32x32768xf32> to vector<32x128xf32>
    %dot_general3A_163 = arith.constant dense<0.000000e+00> : vector<128x32xf32>
    %dot_general3A_164 = tpu.matmul %select_n3A, %slice3A_162, %dot_general3A_163 {dimension_numbers = #tpu.dot_dimension_numbers<[1], [1], [0], [0], [0, 0, 1, 0], [], []>, transpose_lhs_hint = false} : vector<128x128xf32>, vector<32x128xf32>, vector<128x32xf32> -> vector<128x32xf32>
    %slice3A_165 = vector.extract_strided_slice %get3A_1 {offsets = [0, 6912], sizes = [32, 128], strides = [1, 1]} : vector<32x32768xf32> to vector<32x128xf32>
    %dot_general3A_166 = arith.constant dense<0.000000e+00> : vector<128x32xf32>
    %dot_general3A_167 = tpu.matmul %select_n3A, %slice3A_165, %dot_general3A_166 {dimension_numbers = #tpu.dot_dimension_numbers<[1], [1], [0], [0], [0, 0, 1, 0], [], []>, transpose_lhs_hint = false} : vector<128x128xf32>, vector<32x128xf32>, vector<128x32xf32> -> vector<128x32xf32>
    %slice3A_168 = vector.extract_strided_slice %get3A_1 {offsets = [0, 7040], sizes = [32, 128], strides = [1, 1]} : vector<32x32768xf32> to vector<32x128xf32>
    %dot_general3A_169 = arith.constant dense<0.000000e+00> : vector<128x32xf32>
    %dot_general3A_170 = tpu.matmul %select_n3A, %slice3A_168, %dot_general3A_169 {dimension_numbers = #tpu.dot_dimension_numbers<[1], [1], [0], [0], [0, 0, 1, 0], [], []>, transpose_lhs_hint = false} : vector<128x128xf32>, vector<32x128xf32>, vector<128x32xf32> -> vector<128x32xf32>
    %slice3A_171 = vector.extract_strided_slice %get3A_1 {offsets = [0, 7168], sizes = [32, 128], strides = [1, 1]} : vector<32x32768xf32> to vector<32x128xf32>
    %dot_general3A_172 = arith.constant dense<0.000000e+00> : vector<128x32xf32>
    %dot_general3A_173 = tpu.matmul %select_n3A, %slice3A_171, %dot_general3A_172 {dimension_numbers = #tpu.dot_dimension_numbers<[1], [1], [0], [0], [0, 0, 1, 0], [], []>, transpose_lhs_hint = false} : vector<128x128xf32>, vector<32x128xf32>, vector<128x32xf32> -> vector<128x32xf32>
    %slice3A_174 = vector.extract_strided_slice %get3A_1 {offsets = [0, 7296], sizes = [32, 128], strides = [1, 1]} : vector<32x32768xf32> to vector<32x128xf32>
    %dot_general3A_175 = arith.constant dense<0.000000e+00> : vector<128x32xf32>
    %dot_general3A_176 = tpu.matmul %select_n3A, %slice3A_174, %dot_general3A_175 {dimension_numbers = #tpu.dot_dimension_numbers<[1], [1], [0], [0], [0, 0, 1, 0], [], []>, transpose_lhs_hint = false} : vector<128x128xf32>, vector<32x128xf32>, vector<128x32xf32> -> vector<128x32xf32>
    %slice3A_177 = vector.extract_strided_slice %get3A_1 {offsets = [0, 7424], sizes = [32, 128], strides = [1, 1]} : vector<32x32768xf32> to vector<32x128xf32>
    %dot_general3A_178 = arith.constant dense<0.000000e+00> : vector<128x32xf32>
    %dot_general3A_179 = tpu.matmul %select_n3A, %slice3A_177, %dot_general3A_178 {dimension_numbers = #tpu.dot_dimension_numbers<[1], [1], [0], [0], [0, 0, 1, 0], [], []>, transpose_lhs_hint = false} : vector<128x128xf32>, vector<32x128xf32>, vector<128x32xf32> -> vector<128x32xf32>
    %slice3A_180 = vector.extract_strided_slice %get3A_1 {offsets = [0, 7552], sizes = [32, 128], strides = [1, 1]} : vector<32x32768xf32> to vector<32x128xf32>
    %dot_general3A_181 = arith.constant dense<0.000000e+00> : vector<128x32xf32>
    %dot_general3A_182 = tpu.matmul %select_n3A, %slice3A_180, %dot_general3A_181 {dimension_numbers = #tpu.dot_dimension_numbers<[1], [1], [0], [0], [0, 0, 1, 0], [], []>, transpose_lhs_hint = false} : vector<128x128xf32>, vector<32x128xf32>, vector<128x32xf32> -> vector<128x32xf32>
    %slice3A_183 = vector.extract_strided_slice %get3A_1 {offsets = [0, 7680], sizes = [32, 128], strides = [1, 1]} : vector<32x32768xf32> to vector<32x128xf32>
    %dot_general3A_184 = arith.constant dense<0.000000e+00> : vector<128x32xf32>
    %dot_general3A_185 = tpu.matmul %select_n3A, %slice3A_183, %dot_general3A_184 {dimension_numbers = #tpu.dot_dimension_numbers<[1], [1], [0], [0], [0, 0, 1, 0], [], []>, transpose_lhs_hint = false} : vector<128x128xf32>, vector<32x128xf32>, vector<128x32xf32> -> vector<128x32xf32>
    %slice3A_186 = vector.extract_strided_slice %get3A_1 {offsets = [0, 7808], sizes = [32, 128], strides = [1, 1]} : vector<32x32768xf32> to vector<32x128xf32>
    %dot_general3A_187 = arith.constant dense<0.000000e+00> : vector<128x32xf32>
    %dot_general3A_188 = tpu.matmul %select_n3A, %slice3A_186, %dot_general3A_187 {dimension_numbers = #tpu.dot_dimension_numbers<[1], [1], [0], [0], [0, 0, 1, 0], [], []>, transpose_lhs_hint = false} : vector<128x128xf32>, vector<32x128xf32>, vector<128x32xf32> -> vector<128x32xf32>
    %slice3A_189 = vector.extract_strided_slice %get3A_1 {offsets = [0, 7936], sizes = [32, 128], strides = [1, 1]} : vector<32x32768xf32> to vector<32x128xf32>
    %dot_general3A_190 = arith.constant dense<0.000000e+00> : vector<128x32xf32>
    %dot_general3A_191 = tpu.matmul %select_n3A, %slice3A_189, %dot_general3A_190 {dimension_numbers = #tpu.dot_dimension_numbers<[1], [1], [0], [0], [0, 0, 1, 0], [], []>, transpose_lhs_hint = false} : vector<128x128xf32>, vector<32x128xf32>, vector<128x32xf32> -> vector<128x32xf32>
    %slice3A_192 = vector.extract_strided_slice %get3A_1 {offsets = [0, 8064], sizes = [32, 128], strides = [1, 1]} : vector<32x32768xf32> to vector<32x128xf32>
    %dot_general3A_193 = arith.constant dense<0.000000e+00> : vector<128x32xf32>
    %dot_general3A_194 = tpu.matmul %select_n3A, %slice3A_192, %dot_general3A_193 {dimension_numbers = #tpu.dot_dimension_numbers<[1], [1], [0], [0], [0, 0, 1, 0], [], []>, transpose_lhs_hint = false} : vector<128x128xf32>, vector<32x128xf32>, vector<128x32xf32> -> vector<128x32xf32>
    %slice3A_195 = vector.extract_strided_slice %get3A_1 {offsets = [0, 8192], sizes = [32, 128], strides = [1, 1]} : vector<32x32768xf32> to vector<32x128xf32>
    %dot_general3A_196 = arith.constant dense<0.000000e+00> : vector<128x32xf32>
    %dot_general3A_197 = tpu.matmul %select_n3A, %slice3A_195, %dot_general3A_196 {dimension_numbers = #tpu.dot_dimension_numbers<[1], [1], [0], [0], [0, 0, 1, 0], [], []>, transpose_lhs_hint = false} : vector<128x128xf32>, vector<32x128xf32>, vector<128x32xf32> -> vector<128x32xf32>
    %slice3A_198 = vector.extract_strided_slice %get3A_1 {offsets = [0, 8320], sizes = [32, 128], strides = [1, 1]} : vector<32x32768xf32> to vector<32x128xf32>
    %dot_general3A_199 = arith.constant dense<0.000000e+00> : vector<128x32xf32>
    %dot_general3A_200 = tpu.matmul %select_n3A, %slice3A_198, %dot_general3A_199 {dimension_numbers = #tpu.dot_dimension_numbers<[1], [1], [0], [0], [0, 0, 1, 0], [], []>, transpose_lhs_hint = false} : vector<128x128xf32>, vector<32x128xf32>, vector<128x32xf32> -> vector<128x32xf32>
    %slice3A_201 = vector.extract_strided_slice %get3A_1 {offsets = [0, 8448], sizes = [32, 128], strides = [1, 1]} : vector<32x32768xf32> to vector<32x128xf32>
    %dot_general3A_202 = arith.constant dense<0.000000e+00> : vector<128x32xf32>
    %dot_general3A_203 = tpu.matmul %select_n3A, %slice3A_201, %dot_general3A_202 {dimension_numbers = #tpu.dot_dimension_numbers<[1], [1], [0], [0], [0, 0, 1, 0], [], []>, transpose_lhs_hint = false} : vector<128x128xf32>, vector<32x128xf32>, vector<128x32xf32> -> vector<128x32xf32>
    %slice3A_204 = vector.extract_strided_slice %get3A_1 {offsets = [0, 8576], sizes = [32, 128], strides = [1, 1]} : vector<32x32768xf32> to vector<32x128xf32>
    %dot_general3A_205 = arith.constant dense<0.000000e+00> : vector<128x32xf32>
    %dot_general3A_206 = tpu.matmul %select_n3A, %slice3A_204, %dot_general3A_205 {dimension_numbers = #tpu.dot_dimension_numbers<[1], [1], [0], [0], [0, 0, 1, 0], [], []>, transpose_lhs_hint = false} : vector<128x128xf32>, vector<32x128xf32>, vector<128x32xf32> -> vector<128x32xf32>
    %slice3A_207 = vector.extract_strided_slice %get3A_1 {offsets = [0, 8704], sizes = [32, 128], strides = [1, 1]} : vector<32x32768xf32> to vector<32x128xf32>
    %dot_general3A_208 = arith.constant dense<0.000000e+00> : vector<128x32xf32>
    %dot_general3A_209 = tpu.matmul %select_n3A, %slice3A_207, %dot_general3A_208 {dimension_numbers = #tpu.dot_dimension_numbers<[1], [1], [0], [0], [0, 0, 1, 0], [], []>, transpose_lhs_hint = false} : vector<128x128xf32>, vector<32x128xf32>, vector<128x32xf32> -> vector<128x32xf32>
    %slice3A_210 = vector.extract_strided_slice %get3A_1 {offsets = [0, 8832], sizes = [32, 128], strides = [1, 1]} : vector<32x32768xf32> to vector<32x128xf32>
    %dot_general3A_211 = arith.constant dense<0.000000e+00> : vector<128x32xf32>
    %dot_general3A_212 = tpu.matmul %select_n3A, %slice3A_210, %dot_general3A_211 {dimension_numbers = #tpu.dot_dimension_numbers<[1], [1], [0], [0], [0, 0, 1, 0], [], []>, transpose_lhs_hint = false} : vector<128x128xf32>, vector<32x128xf32>, vector<128x32xf32> -> vector<128x32xf32>
    %slice3A_213 = vector.extract_strided_slice %get3A_1 {offsets = [0, 8960], sizes = [32, 128], strides = [1, 1]} : vector<32x32768xf32> to vector<32x128xf32>
    %dot_general3A_214 = arith.constant dense<0.000000e+00> : vector<128x32xf32>
    %dot_general3A_215 = tpu.matmul %select_n3A, %slice3A_213, %dot_general3A_214 {dimension_numbers = #tpu.dot_dimension_numbers<[1], [1], [0], [0], [0, 0, 1, 0], [], []>, transpose_lhs_hint = false} : vector<128x128xf32>, vector<32x128xf32>, vector<128x32xf32> -> vector<128x32xf32>
    %slice3A_216 = vector.extract_strided_slice %get3A_1 {offsets = [0, 9088], sizes = [32, 128], strides = [1, 1]} : vector<32x32768xf32> to vector<32x128xf32>
    %dot_general3A_217 = arith.constant dense<0.000000e+00> : vector<128x32xf32>
    %dot_general3A_218 = tpu.matmul %select_n3A, %slice3A_216, %dot_general3A_217 {dimension_numbers = #tpu.dot_dimension_numbers<[1], [1], [0], [0], [0, 0, 1, 0], [], []>, transpose_lhs_hint = false} : vector<128x128xf32>, vector<32x128xf32>, vector<128x32xf32> -> vector<128x32xf32>
    %slice3A_219 = vector.extract_strided_slice %get3A_1 {offsets = [0, 9216], sizes = [32, 128], strides = [1, 1]} : vector<32x32768xf32> to vector<32x128xf32>
    %dot_general3A_220 = arith.constant dense<0.000000e+00> : vector<128x32xf32>
    %dot_general3A_221 = tpu.matmul %select_n3A, %slice3A_219, %dot_general3A_220 {dimension_numbers = #tpu.dot_dimension_numbers<[1], [1], [0], [0], [0, 0, 1, 0], [], []>, transpose_lhs_hint = false} : vector<128x128xf32>, vector<32x128xf32>, vector<128x32xf32> -> vector<128x32xf32>
    %slice3A_222 = vector.extract_strided_slice %get3A_1 {offsets = [0, 9344], sizes = [32, 128], strides = [1, 1]} : vector<32x32768xf32> to vector<32x128xf32>
    %dot_general3A_223 = arith.constant dense<0.000000e+00> : vector<128x32xf32>
    %dot_general3A_224 = tpu.matmul %select_n3A, %slice3A_222, %dot_general3A_223 {dimension_numbers = #tpu.dot_dimension_numbers<[1], [1], [0], [0], [0, 0, 1, 0], [], []>, transpose_lhs_hint = false} : vector<128x128xf32>, vector<32x128xf32>, vector<128x32xf32> -> vector<128x32xf32>
    %slice3A_225 = vector.extract_strided_slice %get3A_1 {offsets = [0, 9472], sizes = [32, 128], strides = [1, 1]} : vector<32x32768xf32> to vector<32x128xf32>
    %dot_general3A_226 = arith.constant dense<0.000000e+00> : vector<128x32xf32>
    %dot_general3A_227 = tpu.matmul %select_n3A, %slice3A_225, %dot_general3A_226 {dimension_numbers = #tpu.dot_dimension_numbers<[1], [1], [0], [0], [0, 0, 1, 0], [], []>, transpose_lhs_hint = false} : vector<128x128xf32>, vector<32x128xf32>, vector<128x32xf32> -> vector<128x32xf32>
    %slice3A_228 = vector.extract_strided_slice %get3A_1 {offsets = [0, 9600], sizes = [32, 128], strides = [1, 1]} : vector<32x32768xf32> to vector<32x128xf32>
    %dot_general3A_229 = arith.constant dense<0.000000e+00> : vector<128x32xf32>
    %dot_general3A_230 = tpu.matmul %select_n3A, %slice3A_228, %dot_general3A_229 {dimension_numbers = #tpu.dot_dimension_numbers<[1], [1], [0], [0], [0, 0, 1, 0], [], []>, transpose_lhs_hint = false} : vector<128x128xf32>, vector<32x128xf32>, vector<128x32xf32> -> vector<128x32xf32>
    %slice3A_231 = vector.extract_strided_slice %get3A_1 {offsets = [0, 9728], sizes = [32, 128], strides = [1, 1]} : vector<32x32768xf32> to vector<32x128xf32>
    %dot_general3A_232 = arith.constant dense<0.000000e+00> : vector<128x32xf32>
    %dot_general3A_233 = tpu.matmul %select_n3A, %slice3A_231, %dot_general3A_232 {dimension_numbers = #tpu.dot_dimension_numbers<[1], [1], [0], [0], [0, 0, 1, 0], [], []>, transpose_lhs_hint = false} : vector<128x128xf32>, vector<32x128xf32>, vector<128x32xf32> -> vector<128x32xf32>
    %slice3A_234 = vector.extract_strided_slice %get3A_1 {offsets = [0, 9856], sizes = [32, 128], strides = [1, 1]} : vector<32x32768xf32> to vector<32x128xf32>
    %dot_general3A_235 = arith.constant dense<0.000000e+00> : vector<128x32xf32>
    %dot_general3A_236 = tpu.matmul %select_n3A, %slice3A_234, %dot_general3A_235 {dimension_numbers = #tpu.dot_dimension_numbers<[1], [1], [0], [0], [0, 0, 1, 0], [], []>, transpose_lhs_hint = false} : vector<128x128xf32>, vector<32x128xf32>, vector<128x32xf32> -> vector<128x32xf32>
    %slice3A_237 = vector.extract_strided_slice %get3A_1 {offsets = [0, 9984], sizes = [32, 128], strides = [1, 1]} : vector<32x32768xf32> to vector<32x128xf32>
    %dot_general3A_238 = arith.constant dense<0.000000e+00> : vector<128x32xf32>
    %dot_general3A_239 = tpu.matmul %select_n3A, %slice3A_237, %dot_general3A_238 {dimension_numbers = #tpu.dot_dimension_numbers<[1], [1], [0], [0], [0, 0, 1, 0], [], []>, transpose_lhs_hint = false} : vector<128x128xf32>, vector<32x128xf32>, vector<128x32xf32> -> vector<128x32xf32>
    %slice3A_240 = vector.extract_strided_slice %get3A_1 {offsets = [0, 10112], sizes = [32, 128], strides = [1, 1]} : vector<32x32768xf32> to vector<32x128xf32>
    %dot_general3A_241 = arith.constant dense<0.000000e+00> : vector<128x32xf32>
    %dot_general3A_242 = tpu.matmul %select_n3A, %slice3A_240, %dot_general3A_241 {dimension_numbers = #tpu.dot_dimension_numbers<[1], [1], [0], [0], [0, 0, 1, 0], [], []>, transpose_lhs_hint = false} : vector<128x128xf32>, vector<32x128xf32>, vector<128x32xf32> -> vector<128x32xf32>
    %slice3A_243 = vector.extract_strided_slice %get3A_1 {offsets = [0, 10240], sizes = [32, 128], strides = [1, 1]} : vector<32x32768xf32> to vector<32x128xf32>
    %dot_general3A_244 = arith.constant dense<0.000000e+00> : vector<128x32xf32>
    %dot_general3A_245 = tpu.matmul %select_n3A, %slice3A_243, %dot_general3A_244 {dimension_numbers = #tpu.dot_dimension_numbers<[1], [1], [0], [0], [0, 0, 1, 0], [], []>, transpose_lhs_hint = false} : vector<128x128xf32>, vector<32x128xf32>, vector<128x32xf32> -> vector<128x32xf32>
    %slice3A_246 = vector.extract_strided_slice %get3A_1 {offsets = [0, 10368], sizes = [32, 128], strides = [1, 1]} : vector<32x32768xf32> to vector<32x128xf32>
    %dot_general3A_247 = arith.constant dense<0.000000e+00> : vector<128x32xf32>
    %dot_general3A_248 = tpu.matmul %select_n3A, %slice3A_246, %dot_general3A_247 {dimension_numbers = #tpu.dot_dimension_numbers<[1], [1], [0], [0], [0, 0, 1, 0], [], []>, transpose_lhs_hint = false} : vector<128x128xf32>, vector<32x128xf32>, vector<128x32xf32> -> vector<128x32xf32>
    %slice3A_249 = vector.extract_strided_slice %get3A_1 {offsets = [0, 10496], sizes = [32, 128], strides = [1, 1]} : vector<32x32768xf32> to vector<32x128xf32>
    %dot_general3A_250 = arith.constant dense<0.000000e+00> : vector<128x32xf32>
    %dot_general3A_251 = tpu.matmul %select_n3A, %slice3A_249, %dot_general3A_250 {dimension_numbers = #tpu.dot_dimension_numbers<[1], [1], [0], [0], [0, 0, 1, 0], [], []>, transpose_lhs_hint = false} : vector<128x128xf32>, vector<32x128xf32>, vector<128x32xf32> -> vector<128x32xf32>
    %slice3A_252 = vector.extract_strided_slice %get3A_1 {offsets = [0, 10624], sizes = [32, 128], strides = [1, 1]} : vector<32x32768xf32> to vector<32x128xf32>
    %dot_general3A_253 = arith.constant dense<0.000000e+00> : vector<128x32xf32>
    %dot_general3A_254 = tpu.matmul %select_n3A, %slice3A_252, %dot_general3A_253 {dimension_numbers = #tpu.dot_dimension_numbers<[1], [1], [0], [0], [0, 0, 1, 0], [], []>, transpose_lhs_hint = false} : vector<128x128xf32>, vector<32x128xf32>, vector<128x32xf32> -> vector<128x32xf32>
    %slice3A_255 = vector.extract_strided_slice %get3A_1 {offsets = [0, 10752], sizes = [32, 128], strides = [1, 1]} : vector<32x32768xf32> to vector<32x128xf32>
    %dot_general3A_256 = arith.constant dense<0.000000e+00> : vector<128x32xf32>
    %dot_general3A_257 = tpu.matmul %select_n3A, %slice3A_255, %dot_general3A_256 {dimension_numbers = #tpu.dot_dimension_numbers<[1], [1], [0], [0], [0, 0, 1, 0], [], []>, transpose_lhs_hint = false} : vector<128x128xf32>, vector<32x128xf32>, vector<128x32xf32> -> vector<128x32xf32>
    %slice3A_258 = vector.extract_strided_slice %get3A_1 {offsets = [0, 10880], sizes = [32, 128], strides = [1, 1]} : vector<32x32768xf32> to vector<32x128xf32>
    %dot_general3A_259 = arith.constant dense<0.000000e+00> : vector<128x32xf32>
    %dot_general3A_260 = tpu.matmul %select_n3A, %slice3A_258, %dot_general3A_259 {dimension_numbers = #tpu.dot_dimension_numbers<[1], [1], [0], [0], [0, 0, 1, 0], [], []>, transpose_lhs_hint = false} : vector<128x128xf32>, vector<32x128xf32>, vector<128x32xf32> -> vector<128x32xf32>
    %slice3A_261 = vector.extract_strided_slice %get3A_1 {offsets = [0, 11008], sizes = [32, 128], strides = [1, 1]} : vector<32x32768xf32> to vector<32x128xf32>
    %dot_general3A_262 = arith.constant dense<0.000000e+00> : vector<128x32xf32>
    %dot_general3A_263 = tpu.matmul %select_n3A, %slice3A_261, %dot_general3A_262 {dimension_numbers = #tpu.dot_dimension_numbers<[1], [1], [0], [0], [0, 0, 1, 0], [], []>, transpose_lhs_hint = false} : vector<128x128xf32>, vector<32x128xf32>, vector<128x32xf32> -> vector<128x32xf32>
    %slice3A_264 = vector.extract_strided_slice %get3A_1 {offsets = [0, 11136], sizes = [32, 128], strides = [1, 1]} : vector<32x32768xf32> to vector<32x128xf32>
    %dot_general3A_265 = arith.constant dense<0.000000e+00> : vector<128x32xf32>
    %dot_general3A_266 = tpu.matmul %select_n3A, %slice3A_264, %dot_general3A_265 {dimension_numbers = #tpu.dot_dimension_numbers<[1], [1], [0], [0], [0, 0, 1, 0], [], []>, transpose_lhs_hint = false} : vector<128x128xf32>, vector<32x128xf32>, vector<128x32xf32> -> vector<128x32xf32>
    %slice3A_267 = vector.extract_strided_slice %get3A_1 {offsets = [0, 11264], sizes = [32, 128], strides = [1, 1]} : vector<32x32768xf32> to vector<32x128xf32>
    %dot_general3A_268 = arith.constant dense<0.000000e+00> : vector<128x32xf32>
    %dot_general3A_269 = tpu.matmul %select_n3A, %slice3A_267, %dot_general3A_268 {dimension_numbers = #tpu.dot_dimension_numbers<[1], [1], [0], [0], [0, 0, 1, 0], [], []>, transpose_lhs_hint = false} : vector<128x128xf32>, vector<32x128xf32>, vector<128x32xf32> -> vector<128x32xf32>
    %slice3A_270 = vector.extract_strided_slice %get3A_1 {offsets = [0, 11392], sizes = [32, 128], strides = [1, 1]} : vector<32x32768xf32> to vector<32x128xf32>
    %dot_general3A_271 = arith.constant dense<0.000000e+00> : vector<128x32xf32>
    %dot_general3A_272 = tpu.matmul %select_n3A, %slice3A_270, %dot_general3A_271 {dimension_numbers = #tpu.dot_dimension_numbers<[1], [1], [0], [0], [0, 0, 1, 0], [], []>, transpose_lhs_hint = false} : vector<128x128xf32>, vector<32x128xf32>, vector<128x32xf32> -> vector<128x32xf32>
    %slice3A_273 = vector.extract_strided_slice %get3A_1 {offsets = [0, 11520], sizes = [32, 128], strides = [1, 1]} : vector<32x32768xf32> to vector<32x128xf32>
    %dot_general3A_274 = arith.constant dense<0.000000e+00> : vector<128x32xf32>
    %dot_general3A_275 = tpu.matmul %select_n3A, %slice3A_273, %dot_general3A_274 {dimension_numbers = #tpu.dot_dimension_numbers<[1], [1], [0], [0], [0, 0, 1, 0], [], []>, transpose_lhs_hint = false} : vector<128x128xf32>, vector<32x128xf32>, vector<128x32xf32> -> vector<128x32xf32>
    %slice3A_276 = vector.extract_strided_slice %get3A_1 {offsets = [0, 11648], sizes = [32, 128], strides = [1, 1]} : vector<32x32768xf32> to vector<32x128xf32>
    %dot_general3A_277 = arith.constant dense<0.000000e+00> : vector<128x32xf32>
    %dot_general3A_278 = tpu.matmul %select_n3A, %slice3A_276, %dot_general3A_277 {dimension_numbers = #tpu.dot_dimension_numbers<[1], [1], [0], [0], [0, 0, 1, 0], [], []>, transpose_lhs_hint = false} : vector<128x128xf32>, vector<32x128xf32>, vector<128x32xf32> -> vector<128x32xf32>
    %slice3A_279 = vector.extract_strided_slice %get3A_1 {offsets = [0, 11776], sizes = [32, 128], strides = [1, 1]} : vector<32x32768xf32> to vector<32x128xf32>
    %dot_general3A_280 = arith.constant dense<0.000000e+00> : vector<128x32xf32>
    %dot_general3A_281 = tpu.matmul %select_n3A, %slice3A_279, %dot_general3A_280 {dimension_numbers = #tpu.dot_dimension_numbers<[1], [1], [0], [0], [0, 0, 1, 0], [], []>, transpose_lhs_hint = false} : vector<128x128xf32>, vector<32x128xf32>, vector<128x32xf32> -> vector<128x32xf32>
    %slice3A_282 = vector.extract_strided_slice %get3A_1 {offsets = [0, 11904], sizes = [32, 128], strides = [1, 1]} : vector<32x32768xf32> to vector<32x128xf32>
    %dot_general3A_283 = arith.constant dense<0.000000e+00> : vector<128x32xf32>
    %dot_general3A_284 = tpu.matmul %select_n3A, %slice3A_282, %dot_general3A_283 {dimension_numbers = #tpu.dot_dimension_numbers<[1], [1], [0], [0], [0, 0, 1, 0], [], []>, transpose_lhs_hint = false} : vector<128x128xf32>, vector<32x128xf32>, vector<128x32xf32> -> vector<128x32xf32>
    %slice3A_285 = vector.extract_strided_slice %get3A_1 {offsets = [0, 12032], sizes = [32, 128], strides = [1, 1]} : vector<32x32768xf32> to vector<32x128xf32>
    %dot_general3A_286 = arith.constant dense<0.000000e+00> : vector<128x32xf32>
    %dot_general3A_287 = tpu.matmul %select_n3A, %slice3A_285, %dot_general3A_286 {dimension_numbers = #tpu.dot_dimension_numbers<[1], [1], [0], [0], [0, 0, 1, 0], [], []>, transpose_lhs_hint = false} : vector<128x128xf32>, vector<32x128xf32>, vector<128x32xf32> -> vector<128x32xf32>
    %slice3A_288 = vector.extract_strided_slice %get3A_1 {offsets = [0, 12160], sizes = [32, 128], strides = [1, 1]} : vector<32x32768xf32> to vector<32x128xf32>
    %dot_general3A_289 = arith.constant dense<0.000000e+00> : vector<128x32xf32>
    %dot_general3A_290 = tpu.matmul %select_n3A, %slice3A_288, %dot_general3A_289 {dimension_numbers = #tpu.dot_dimension_numbers<[1], [1], [0], [0], [0, 0, 1, 0], [], []>, transpose_lhs_hint = false} : vector<128x128xf32>, vector<32x128xf32>, vector<128x32xf32> -> vector<128x32xf32>
    %slice3A_291 = vector.extract_strided_slice %get3A_1 {offsets = [0, 12288], sizes = [32, 128], strides = [1, 1]} : vector<32x32768xf32> to vector<32x128xf32>
    %dot_general3A_292 = arith.constant dense<0.000000e+00> : vector<128x32xf32>
    %dot_general3A_293 = tpu.matmul %select_n3A, %slice3A_291, %dot_general3A_292 {dimension_numbers = #tpu.dot_dimension_numbers<[1], [1], [0], [0], [0, 0, 1, 0], [], []>, transpose_lhs_hint = false} : vector<128x128xf32>, vector<32x128xf32>, vector<128x32xf32> -> vector<128x32xf32>
    %slice3A_294 = vector.extract_strided_slice %get3A_1 {offsets = [0, 12416], sizes = [32, 128], strides = [1, 1]} : vector<32x32768xf32> to vector<32x128xf32>
    %dot_general3A_295 = arith.constant dense<0.000000e+00> : vector<128x32xf32>
    %dot_general3A_296 = tpu.matmul %select_n3A, %slice3A_294, %dot_general3A_295 {dimension_numbers = #tpu.dot_dimension_numbers<[1], [1], [0], [0], [0, 0, 1, 0], [], []>, transpose_lhs_hint = false} : vector<128x128xf32>, vector<32x128xf32>, vector<128x32xf32> -> vector<128x32xf32>
    %slice3A_297 = vector.extract_strided_slice %get3A_1 {offsets = [0, 12544], sizes = [32, 128], strides = [1, 1]} : vector<32x32768xf32> to vector<32x128xf32>
    %dot_general3A_298 = arith.constant dense<0.000000e+00> : vector<128x32xf32>
    %dot_general3A_299 = tpu.matmul %select_n3A, %slice3A_297, %dot_general3A_298 {dimension_numbers = #tpu.dot_dimension_numbers<[1], [1], [0], [0], [0, 0, 1, 0], [], []>, transpose_lhs_hint = false} : vector<128x128xf32>, vector<32x128xf32>, vector<128x32xf32> -> vector<128x32xf32>
    %slice3A_300 = vector.extract_strided_slice %get3A_1 {offsets = [0, 12672], sizes = [32, 128], strides = [1, 1]} : vector<32x32768xf32> to vector<32x128xf32>
    %dot_general3A_301 = arith.constant dense<0.000000e+00> : vector<128x32xf32>
    %dot_general3A_302 = tpu.matmul %select_n3A, %slice3A_300, %dot_general3A_301 {dimension_numbers = #tpu.dot_dimension_numbers<[1], [1], [0], [0], [0, 0, 1, 0], [], []>, transpose_lhs_hint = false} : vector<128x128xf32>, vector<32x128xf32>, vector<128x32xf32> -> vector<128x32xf32>
    %slice3A_303 = vector.extract_strided_slice %get3A_1 {offsets = [0, 12800], sizes = [32, 128], strides = [1, 1]} : vector<32x32768xf32> to vector<32x128xf32>
    %dot_general3A_304 = arith.constant dense<0.000000e+00> : vector<128x32xf32>
    %dot_general3A_305 = tpu.matmul %select_n3A, %slice3A_303, %dot_general3A_304 {dimension_numbers = #tpu.dot_dimension_numbers<[1], [1], [0], [0], [0, 0, 1, 0], [], []>, transpose_lhs_hint = false} : vector<128x128xf32>, vector<32x128xf32>, vector<128x32xf32> -> vector<128x32xf32>
    %slice3A_306 = vector.extract_strided_slice %get3A_1 {offsets = [0, 12928], sizes = [32, 128], strides = [1, 1]} : vector<32x32768xf32> to vector<32x128xf32>
    %dot_general3A_307 = arith.constant dense<0.000000e+00> : vector<128x32xf32>
    %dot_general3A_308 = tpu.matmul %select_n3A, %slice3A_306, %dot_general3A_307 {dimension_numbers = #tpu.dot_dimension_numbers<[1], [1], [0], [0], [0, 0, 1, 0], [], []>, transpose_lhs_hint = false} : vector<128x128xf32>, vector<32x128xf32>, vector<128x32xf32> -> vector<128x32xf32>
    %slice3A_309 = vector.extract_strided_slice %get3A_1 {offsets = [0, 13056], sizes = [32, 128], strides = [1, 1]} : vector<32x32768xf32> to vector<32x128xf32>
    %dot_general3A_310 = arith.constant dense<0.000000e+00> : vector<128x32xf32>
    %dot_general3A_311 = tpu.matmul %select_n3A, %slice3A_309, %dot_general3A_310 {dimension_numbers = #tpu.dot_dimension_numbers<[1], [1], [0], [0], [0, 0, 1, 0], [], []>, transpose_lhs_hint = false} : vector<128x128xf32>, vector<32x128xf32>, vector<128x32xf32> -> vector<128x32xf32>
    %slice3A_312 = vector.extract_strided_slice %get3A_1 {offsets = [0, 13184], sizes = [32, 128], strides = [1, 1]} : vector<32x32768xf32> to vector<32x128xf32>
    %dot_general3A_313 = arith.constant dense<0.000000e+00> : vector<128x32xf32>
    %dot_general3A_314 = tpu.matmul %select_n3A, %slice3A_312, %dot_general3A_313 {dimension_numbers = #tpu.dot_dimension_numbers<[1], [1], [0], [0], [0, 0, 1, 0], [], []>, transpose_lhs_hint = false} : vector<128x128xf32>, vector<32x128xf32>, vector<128x32xf32> -> vector<128x32xf32>
    %slice3A_315 = vector.extract_strided_slice %get3A_1 {offsets = [0, 13312], sizes = [32, 128], strides = [1, 1]} : vector<32x32768xf32> to vector<32x128xf32>
    %dot_general3A_316 = arith.constant dense<0.000000e+00> : vector<128x32xf32>
    %dot_general3A_317 = tpu.matmul %select_n3A, %slice3A_315, %dot_general3A_316 {dimension_numbers = #tpu.dot_dimension_numbers<[1], [1], [0], [0], [0, 0, 1, 0], [], []>, transpose_lhs_hint = false} : vector<128x128xf32>, vector<32x128xf32>, vector<128x32xf32> -> vector<128x32xf32>
    %slice3A_318 = vector.extract_strided_slice %get3A_1 {offsets = [0, 13440], sizes = [32, 128], strides = [1, 1]} : vector<32x32768xf32> to vector<32x128xf32>
    %dot_general3A_319 = arith.constant dense<0.000000e+00> : vector<128x32xf32>
    %dot_general3A_320 = tpu.matmul %select_n3A, %slice3A_318, %dot_general3A_319 {dimension_numbers = #tpu.dot_dimension_numbers<[1], [1], [0], [0], [0, 0, 1, 0], [], []>, transpose_lhs_hint = false} : vector<128x128xf32>, vector<32x128xf32>, vector<128x32xf32> -> vector<128x32xf32>
    %slice3A_321 = vector.extract_strided_slice %get3A_1 {offsets = [0, 13568], sizes = [32, 128], strides = [1, 1]} : vector<32x32768xf32> to vector<32x128xf32>
    %dot_general3A_322 = arith.constant dense<0.000000e+00> : vector<128x32xf32>
    %dot_general3A_323 = tpu.matmul %select_n3A, %slice3A_321, %dot_general3A_322 {dimension_numbers = #tpu.dot_dimension_numbers<[1], [1], [0], [0], [0, 0, 1, 0], [], []>, transpose_lhs_hint = false} : vector<128x128xf32>, vector<32x128xf32>, vector<128x32xf32> -> vector<128x32xf32>
    %slice3A_324 = vector.extract_strided_slice %get3A_1 {offsets = [0, 13696], sizes = [32, 128], strides = [1, 1]} : vector<32x32768xf32> to vector<32x128xf32>
    %dot_general3A_325 = arith.constant dense<0.000000e+00> : vector<128x32xf32>
    %dot_general3A_326 = tpu.matmul %select_n3A, %slice3A_324, %dot_general3A_325 {dimension_numbers = #tpu.dot_dimension_numbers<[1], [1], [0], [0], [0, 0, 1, 0], [], []>, transpose_lhs_hint = false} : vector<128x128xf32>, vector<32x128xf32>, vector<128x32xf32> -> vector<128x32xf32>
    %slice3A_327 = vector.extract_strided_slice %get3A_1 {offsets = [0, 13824], sizes = [32, 128], strides = [1, 1]} : vector<32x32768xf32> to vector<32x128xf32>
    %dot_general3A_328 = arith.constant dense<0.000000e+00> : vector<128x32xf32>
    %dot_general3A_329 = tpu.matmul %select_n3A, %slice3A_327, %dot_general3A_328 {dimension_numbers = #tpu.dot_dimension_numbers<[1], [1], [0], [0], [0, 0, 1, 0], [], []>, transpose_lhs_hint = false} : vector<128x128xf32>, vector<32x128xf32>, vector<128x32xf32> -> vector<128x32xf32>
    %slice3A_330 = vector.extract_strided_slice %get3A_1 {offsets = [0, 13952], sizes = [32, 128], strides = [1, 1]} : vector<32x32768xf32> to vector<32x128xf32>
    %dot_general3A_331 = arith.constant dense<0.000000e+00> : vector<128x32xf32>
    %dot_general3A_332 = tpu.matmul %select_n3A, %slice3A_330, %dot_general3A_331 {dimension_numbers = #tpu.dot_dimension_numbers<[1], [1], [0], [0], [0, 0, 1, 0], [], []>, transpose_lhs_hint = false} : vector<128x128xf32>, vector<32x128xf32>, vector<128x32xf32> -> vector<128x32xf32>
    %slice3A_333 = vector.extract_strided_slice %get3A_1 {offsets = [0, 14080], sizes = [32, 128], strides = [1, 1]} : vector<32x32768xf32> to vector<32x128xf32>
    %dot_general3A_334 = arith.constant dense<0.000000e+00> : vector<128x32xf32>
    %dot_general3A_335 = tpu.matmul %select_n3A, %slice3A_333, %dot_general3A_334 {dimension_numbers = #tpu.dot_dimension_numbers<[1], [1], [0], [0], [0, 0, 1, 0], [], []>, transpose_lhs_hint = false} : vector<128x128xf32>, vector<32x128xf32>, vector<128x32xf32> -> vector<128x32xf32>
    %slice3A_336 = vector.extract_strided_slice %get3A_1 {offsets = [0, 14208], sizes = [32, 128], strides = [1, 1]} : vector<32x32768xf32> to vector<32x128xf32>
    %dot_general3A_337 = arith.constant dense<0.000000e+00> : vector<128x32xf32>
    %dot_general3A_338 = tpu.matmul %select_n3A, %slice3A_336, %dot_general3A_337 {dimension_numbers = #tpu.dot_dimension_numbers<[1], [1], [0], [0], [0, 0, 1, 0], [], []>, transpose_lhs_hint = false} : vector<128x128xf32>, vector<32x128xf32>, vector<128x32xf32> -> vector<128x32xf32>
    %slice3A_339 = vector.extract_strided_slice %get3A_1 {offsets = [0, 14336], sizes = [32, 128], strides = [1, 1]} : vector<32x32768xf32> to vector<32x128xf32>
    %dot_general3A_340 = arith.constant dense<0.000000e+00> : vector<128x32xf32>
    %dot_general3A_341 = tpu.matmul %select_n3A, %slice3A_339, %dot_general3A_340 {dimension_numbers = #tpu.dot_dimension_numbers<[1], [1], [0], [0], [0, 0, 1, 0], [], []>, transpose_lhs_hint = false} : vector<128x128xf32>, vector<32x128xf32>, vector<128x32xf32> -> vector<128x32xf32>
    %slice3A_342 = vector.extract_strided_slice %get3A_1 {offsets = [0, 14464], sizes = [32, 128], strides = [1, 1]} : vector<32x32768xf32> to vector<32x128xf32>
    %dot_general3A_343 = arith.constant dense<0.000000e+00> : vector<128x32xf32>
    %dot_general3A_344 = tpu.matmul %select_n3A, %slice3A_342, %dot_general3A_343 {dimension_numbers = #tpu.dot_dimension_numbers<[1], [1], [0], [0], [0, 0, 1, 0], [], []>, transpose_lhs_hint = false} : vector<128x128xf32>, vector<32x128xf32>, vector<128x32xf32> -> vector<128x32xf32>
    %slice3A_345 = vector.extract_strided_slice %get3A_1 {offsets = [0, 14592], sizes = [32, 128], strides = [1, 1]} : vector<32x32768xf32> to vector<32x128xf32>
    %dot_general3A_346 = arith.constant dense<0.000000e+00> : vector<128x32xf32>
    %dot_general3A_347 = tpu.matmul %select_n3A, %slice3A_345, %dot_general3A_346 {dimension_numbers = #tpu.dot_dimension_numbers<[1], [1], [0], [0], [0, 0, 1, 0], [], []>, transpose_lhs_hint = false} : vector<128x128xf32>, vector<32x128xf32>, vector<128x32xf32> -> vector<128x32xf32>
    %slice3A_348 = vector.extract_strided_slice %get3A_1 {offsets = [0, 14720], sizes = [32, 128], strides = [1, 1]} : vector<32x32768xf32> to vector<32x128xf32>
    %dot_general3A_349 = arith.constant dense<0.000000e+00> : vector<128x32xf32>
    %dot_general3A_350 = tpu.matmul %select_n3A, %slice3A_348, %dot_general3A_349 {dimension_numbers = #tpu.dot_dimension_numbers<[1], [1], [0], [0], [0, 0, 1, 0], [], []>, transpose_lhs_hint = false} : vector<128x128xf32>, vector<32x128xf32>, vector<128x32xf32> -> vector<128x32xf32>
    %slice3A_351 = vector.extract_strided_slice %get3A_1 {offsets = [0, 14848], sizes = [32, 128], strides = [1, 1]} : vector<32x32768xf32> to vector<32x128xf32>
    %dot_general3A_352 = arith.constant dense<0.000000e+00> : vector<128x32xf32>
    %dot_general3A_353 = tpu.matmul %select_n3A, %slice3A_351, %dot_general3A_352 {dimension_numbers = #tpu.dot_dimension_numbers<[1], [1], [0], [0], [0, 0, 1, 0], [], []>, transpose_lhs_hint = false} : vector<128x128xf32>, vector<32x128xf32>, vector<128x32xf32> -> vector<128x32xf32>
    %slice3A_354 = vector.extract_strided_slice %get3A_1 {offsets = [0, 14976], sizes = [32, 128], strides = [1, 1]} : vector<32x32768xf32> to vector<32x128xf32>
    %dot_general3A_355 = arith.constant dense<0.000000e+00> : vector<128x32xf32>
    %dot_general3A_356 = tpu.matmul %select_n3A, %slice3A_354, %dot_general3A_355 {dimension_numbers = #tpu.dot_dimension_numbers<[1], [1], [0], [0], [0, 0, 1, 0], [], []>, transpose_lhs_hint = false} : vector<128x128xf32>, vector<32x128xf32>, vector<128x32xf32> -> vector<128x32xf32>
    %slice3A_357 = vector.extract_strided_slice %get3A_1 {offsets = [0, 15104], sizes = [32, 128], strides = [1, 1]} : vector<32x32768xf32> to vector<32x128xf32>
    %dot_general3A_358 = arith.constant dense<0.000000e+00> : vector<128x32xf32>
    %dot_general3A_359 = tpu.matmul %select_n3A, %slice3A_357, %dot_general3A_358 {dimension_numbers = #tpu.dot_dimension_numbers<[1], [1], [0], [0], [0, 0, 1, 0], [], []>, transpose_lhs_hint = false} : vector<128x128xf32>, vector<32x128xf32>, vector<128x32xf32> -> vector<128x32xf32>
    %slice3A_360 = vector.extract_strided_slice %get3A_1 {offsets = [0, 15232], sizes = [32, 128], strides = [1, 1]} : vector<32x32768xf32> to vector<32x128xf32>
    %dot_general3A_361 = arith.constant dense<0.000000e+00> : vector<128x32xf32>
    %dot_general3A_362 = tpu.matmul %select_n3A, %slice3A_360, %dot_general3A_361 {dimension_numbers = #tpu.dot_dimension_numbers<[1], [1], [0], [0], [0, 0, 1, 0], [], []>, transpose_lhs_hint = false} : vector<128x128xf32>, vector<32x128xf32>, vector<128x32xf32> -> vector<128x32xf32>
    %slice3A_363 = vector.extract_strided_slice %get3A_1 {offsets = [0, 15360], sizes = [32, 128], strides = [1, 1]} : vector<32x32768xf32> to vector<32x128xf32>
    %dot_general3A_364 = arith.constant dense<0.000000e+00> : vector<128x32xf32>
    %dot_general3A_365 = tpu.matmul %select_n3A, %slice3A_363, %dot_general3A_364 {dimension_numbers = #tpu.dot_dimension_numbers<[1], [1], [0], [0], [0, 0, 1, 0], [], []>, transpose_lhs_hint = false} : vector<128x128xf32>, vector<32x128xf32>, vector<128x32xf32> -> vector<128x32xf32>
    %slice3A_366 = vector.extract_strided_slice %get3A_1 {offsets = [0, 15488], sizes = [32, 128], strides = [1, 1]} : vector<32x32768xf32> to vector<32x128xf32>
    %dot_general3A_367 = arith.constant dense<0.000000e+00> : vector<128x32xf32>
    %dot_general3A_368 = tpu.matmul %select_n3A, %slice3A_366, %dot_general3A_367 {dimension_numbers = #tpu.dot_dimension_numbers<[1], [1], [0], [0], [0, 0, 1, 0], [], []>, transpose_lhs_hint = false} : vector<128x128xf32>, vector<32x128xf32>, vector<128x32xf32> -> vector<128x32xf32>
    %slice3A_369 = vector.extract_strided_slice %get3A_1 {offsets = [0, 15616], sizes = [32, 128], strides = [1, 1]} : vector<32x32768xf32> to vector<32x128xf32>
    %dot_general3A_370 = arith.constant dense<0.000000e+00> : vector<128x32xf32>
    %dot_general3A_371 = tpu.matmul %select_n3A, %slice3A_369, %dot_general3A_370 {dimension_numbers = #tpu.dot_dimension_numbers<[1], [1], [0], [0], [0, 0, 1, 0], [], []>, transpose_lhs_hint = false} : vector<128x128xf32>, vector<32x128xf32>, vector<128x32xf32> -> vector<128x32xf32>
    %slice3A_372 = vector.extract_strided_slice %get3A_1 {offsets = [0, 15744], sizes = [32, 128], strides = [1, 1]} : vector<32x32768xf32> to vector<32x128xf32>
    %dot_general3A_373 = arith.constant dense<0.000000e+00> : vector<128x32xf32>
    %dot_general3A_374 = tpu.matmul %select_n3A, %slice3A_372, %dot_general3A_373 {dimension_numbers = #tpu.dot_dimension_numbers<[1], [1], [0], [0], [0, 0, 1, 0], [], []>, transpose_lhs_hint = false} : vector<128x128xf32>, vector<32x128xf32>, vector<128x32xf32> -> vector<128x32xf32>
    %slice3A_375 = vector.extract_strided_slice %get3A_1 {offsets = [0, 15872], sizes = [32, 128], strides = [1, 1]} : vector<32x32768xf32> to vector<32x128xf32>
    %dot_general3A_376 = arith.constant dense<0.000000e+00> : vector<128x32xf32>
    %dot_general3A_377 = tpu.matmul %select_n3A, %slice3A_375, %dot_general3A_376 {dimension_numbers = #tpu.dot_dimension_numbers<[1], [1], [0], [0], [0, 0, 1, 0], [], []>, transpose_lhs_hint = false} : vector<128x128xf32>, vector<32x128xf32>, vector<128x32xf32> -> vector<128x32xf32>
    %slice3A_378 = vector.extract_strided_slice %get3A_1 {offsets = [0, 16000], sizes = [32, 128], strides = [1, 1]} : vector<32x32768xf32> to vector<32x128xf32>
    %dot_general3A_379 = arith.constant dense<0.000000e+00> : vector<128x32xf32>
    %dot_general3A_380 = tpu.matmul %select_n3A, %slice3A_378, %dot_general3A_379 {dimension_numbers = #tpu.dot_dimension_numbers<[1], [1], [0], [0], [0, 0, 1, 0], [], []>, transpose_lhs_hint = false} : vector<128x128xf32>, vector<32x128xf32>, vector<128x32xf32> -> vector<128x32xf32>
    %slice3A_381 = vector.extract_strided_slice %get3A_1 {offsets = [0, 16128], sizes = [32, 128], strides = [1, 1]} : vector<32x32768xf32> to vector<32x128xf32>
    %dot_general3A_382 = arith.constant dense<0.000000e+00> : vector<128x32xf32>
    %dot_general3A_383 = tpu.matmul %select_n3A, %slice3A_381, %dot_general3A_382 {dimension_numbers = #tpu.dot_dimension_numbers<[1], [1], [0], [0], [0, 0, 1, 0], [], []>, transpose_lhs_hint = false} : vector<128x128xf32>, vector<32x128xf32>, vector<128x32xf32> -> vector<128x32xf32>
    %slice3A_384 = vector.extract_strided_slice %get3A_1 {offsets = [0, 16256], sizes = [32, 128], strides = [1, 1]} : vector<32x32768xf32> to vector<32x128xf32>
    %dot_general3A_385 = arith.constant dense<0.000000e+00> : vector<128x32xf32>
    %dot_general3A_386 = tpu.matmul %select_n3A, %slice3A_384, %dot_general3A_385 {dimension_numbers = #tpu.dot_dimension_numbers<[1], [1], [0], [0], [0, 0, 1, 0], [], []>, transpose_lhs_hint = false} : vector<128x128xf32>, vector<32x128xf32>, vector<128x32xf32> -> vector<128x32xf32>
    %slice3A_387 = vector.extract_strided_slice %get3A_1 {offsets = [0, 16384], sizes = [32, 128], strides = [1, 1]} : vector<32x32768xf32> to vector<32x128xf32>
    %dot_general3A_388 = arith.constant dense<0.000000e+00> : vector<128x32xf32>
    %dot_general3A_389 = tpu.matmul %select_n3A, %slice3A_387, %dot_general3A_388 {dimension_numbers = #tpu.dot_dimension_numbers<[1], [1], [0], [0], [0, 0, 1, 0], [], []>, transpose_lhs_hint = false} : vector<128x128xf32>, vector<32x128xf32>, vector<128x32xf32> -> vector<128x32xf32>
    %slice3A_390 = vector.extract_strided_slice %get3A_1 {offsets = [0, 16512], sizes = [32, 128], strides = [1, 1]} : vector<32x32768xf32> to vector<32x128xf32>
    %dot_general3A_391 = arith.constant dense<0.000000e+00> : vector<128x32xf32>
    %dot_general3A_392 = tpu.matmul %select_n3A, %slice3A_390, %dot_general3A_391 {dimension_numbers = #tpu.dot_dimension_numbers<[1], [1], [0], [0], [0, 0, 1, 0], [], []>, transpose_lhs_hint = false} : vector<128x128xf32>, vector<32x128xf32>, vector<128x32xf32> -> vector<128x32xf32>
    %slice3A_393 = vector.extract_strided_slice %get3A_1 {offsets = [0, 16640], sizes = [32, 128], strides = [1, 1]} : vector<32x32768xf32> to vector<32x128xf32>
    %dot_general3A_394 = arith.constant dense<0.000000e+00> : vector<128x32xf32>
    %dot_general3A_395 = tpu.matmul %select_n3A, %slice3A_393, %dot_general3A_394 {dimension_numbers = #tpu.dot_dimension_numbers<[1], [1], [0], [0], [0, 0, 1, 0], [], []>, transpose_lhs_hint = false} : vector<128x128xf32>, vector<32x128xf32>, vector<128x32xf32> -> vector<128x32xf32>
    %slice3A_396 = vector.extract_strided_slice %get3A_1 {offsets = [0, 16768], sizes = [32, 128], strides = [1, 1]} : vector<32x32768xf32> to vector<32x128xf32>
    %dot_general3A_397 = arith.constant dense<0.000000e+00> : vector<128x32xf32>
    %dot_general3A_398 = tpu.matmul %select_n3A, %slice3A_396, %dot_general3A_397 {dimension_numbers = #tpu.dot_dimension_numbers<[1], [1], [0], [0], [0, 0, 1, 0], [], []>, transpose_lhs_hint = false} : vector<128x128xf32>, vector<32x128xf32>, vector<128x32xf32> -> vector<128x32xf32>
    %slice3A_399 = vector.extract_strided_slice %get3A_1 {offsets = [0, 16896], sizes = [32, 128], strides = [1, 1]} : vector<32x32768xf32> to vector<32x128xf32>
    %dot_general3A_400 = arith.constant dense<0.000000e+00> : vector<128x32xf32>
    %dot_general3A_401 = tpu.matmul %select_n3A, %slice3A_399, %dot_general3A_400 {dimension_numbers = #tpu.dot_dimension_numbers<[1], [1], [0], [0], [0, 0, 1, 0], [], []>, transpose_lhs_hint = false} : vector<128x128xf32>, vector<32x128xf32>, vector<128x32xf32> -> vector<128x32xf32>
    %slice3A_402 = vector.extract_strided_slice %get3A_1 {offsets = [0, 17024], sizes = [32, 128], strides = [1, 1]} : vector<32x32768xf32> to vector<32x128xf32>
    %dot_general3A_403 = arith.constant dense<0.000000e+00> : vector<128x32xf32>
    %dot_general3A_404 = tpu.matmul %select_n3A, %slice3A_402, %dot_general3A_403 {dimension_numbers = #tpu.dot_dimension_numbers<[1], [1], [0], [0], [0, 0, 1, 0], [], []>, transpose_lhs_hint = false} : vector<128x128xf32>, vector<32x128xf32>, vector<128x32xf32> -> vector<128x32xf32>
    %slice3A_405 = vector.extract_strided_slice %get3A_1 {offsets = [0, 17152], sizes = [32, 128], strides = [1, 1]} : vector<32x32768xf32> to vector<32x128xf32>
    %dot_general3A_406 = arith.constant dense<0.000000e+00> : vector<128x32xf32>
    %dot_general3A_407 = tpu.matmul %select_n3A, %slice3A_405, %dot_general3A_406 {dimension_numbers = #tpu.dot_dimension_numbers<[1], [1], [0], [0], [0, 0, 1, 0], [], []>, transpose_lhs_hint = false} : vector<128x128xf32>, vector<32x128xf32>, vector<128x32xf32> -> vector<128x32xf32>
    %slice3A_408 = vector.extract_strided_slice %get3A_1 {offsets = [0, 17280], sizes = [32, 128], strides = [1, 1]} : vector<32x32768xf32> to vector<32x128xf32>
    %dot_general3A_409 = arith.constant dense<0.000000e+00> : vector<128x32xf32>
    %dot_general3A_410 = tpu.matmul %select_n3A, %slice3A_408, %dot_general3A_409 {dimension_numbers = #tpu.dot_dimension_numbers<[1], [1], [0], [0], [0, 0, 1, 0], [], []>, transpose_lhs_hint = false} : vector<128x128xf32>, vector<32x128xf32>, vector<128x32xf32> -> vector<128x32xf32>
    %slice3A_411 = vector.extract_strided_slice %get3A_1 {offsets = [0, 17408], sizes = [32, 128], strides = [1, 1]} : vector<32x32768xf32> to vector<32x128xf32>
    %dot_general3A_412 = arith.constant dense<0.000000e+00> : vector<128x32xf32>
    %dot_general3A_413 = tpu.matmul %select_n3A, %slice3A_411, %dot_general3A_412 {dimension_numbers = #tpu.dot_dimension_numbers<[1], [1], [0], [0], [0, 0, 1, 0], [], []>, transpose_lhs_hint = false} : vector<128x128xf32>, vector<32x128xf32>, vector<128x32xf32> -> vector<128x32xf32>
    %slice3A_414 = vector.extract_strided_slice %get3A_1 {offsets = [0, 17536], sizes = [32, 128], strides = [1, 1]} : vector<32x32768xf32> to vector<32x128xf32>
    %dot_general3A_415 = arith.constant dense<0.000000e+00> : vector<128x32xf32>
    %dot_general3A_416 = tpu.matmul %select_n3A, %slice3A_414, %dot_general3A_415 {dimension_numbers = #tpu.dot_dimension_numbers<[1], [1], [0], [0], [0, 0, 1, 0], [], []>, transpose_lhs_hint = false} : vector<128x128xf32>, vector<32x128xf32>, vector<128x32xf32> -> vector<128x32xf32>
    %slice3A_417 = vector.extract_strided_slice %get3A_1 {offsets = [0, 17664], sizes = [32, 128], strides = [1, 1]} : vector<32x32768xf32> to vector<32x128xf32>
    %dot_general3A_418 = arith.constant dense<0.000000e+00> : vector<128x32xf32>
    %dot_general3A_419 = tpu.matmul %select_n3A, %slice3A_417, %dot_general3A_418 {dimension_numbers = #tpu.dot_dimension_numbers<[1], [1], [0], [0], [0, 0, 1, 0], [], []>, transpose_lhs_hint = false} : vector<128x128xf32>, vector<32x128xf32>, vector<128x32xf32> -> vector<128x32xf32>
    %slice3A_420 = vector.extract_strided_slice %get3A_1 {offsets = [0, 17792], sizes = [32, 128], strides = [1, 1]} : vector<32x32768xf32> to vector<32x128xf32>
    %dot_general3A_421 = arith.constant dense<0.000000e+00> : vector<128x32xf32>
    %dot_general3A_422 = tpu.matmul %select_n3A, %slice3A_420, %dot_general3A_421 {dimension_numbers = #tpu.dot_dimension_numbers<[1], [1], [0], [0], [0, 0, 1, 0], [], []>, transpose_lhs_hint = false} : vector<128x128xf32>, vector<32x128xf32>, vector<128x32xf32> -> vector<128x32xf32>
    %slice3A_423 = vector.extract_strided_slice %get3A_1 {offsets = [0, 17920], sizes = [32, 128], strides = [1, 1]} : vector<32x32768xf32> to vector<32x128xf32>
    %dot_general3A_424 = arith.constant dense<0.000000e+00> : vector<128x32xf32>
    %dot_general3A_425 = tpu.matmul %select_n3A, %slice3A_423, %dot_general3A_424 {dimension_numbers = #tpu.dot_dimension_numbers<[1], [1], [0], [0], [0, 0, 1, 0], [], []>, transpose_lhs_hint = false} : vector<128x128xf32>, vector<32x128xf32>, vector<128x32xf32> -> vector<128x32xf32>
    %slice3A_426 = vector.extract_strided_slice %get3A_1 {offsets = [0, 18048], sizes = [32, 128], strides = [1, 1]} : vector<32x32768xf32> to vector<32x128xf32>
    %dot_general3A_427 = arith.constant dense<0.000000e+00> : vector<128x32xf32>
    %dot_general3A_428 = tpu.matmul %select_n3A, %slice3A_426, %dot_general3A_427 {dimension_numbers = #tpu.dot_dimension_numbers<[1], [1], [0], [0], [0, 0, 1, 0], [], []>, transpose_lhs_hint = false} : vector<128x128xf32>, vector<32x128xf32>, vector<128x32xf32> -> vector<128x32xf32>
    %slice3A_429 = vector.extract_strided_slice %get3A_1 {offsets = [0, 18176], sizes = [32, 128], strides = [1, 1]} : vector<32x32768xf32> to vector<32x128xf32>
    %dot_general3A_430 = arith.constant dense<0.000000e+00> : vector<128x32xf32>
    %dot_general3A_431 = tpu.matmul %select_n3A, %slice3A_429, %dot_general3A_430 {dimension_numbers = #tpu.dot_dimension_numbers<[1], [1], [0], [0], [0, 0, 1, 0], [], []>, transpose_lhs_hint = false} : vector<128x128xf32>, vector<32x128xf32>, vector<128x32xf32> -> vector<128x32xf32>
    %slice3A_432 = vector.extract_strided_slice %get3A_1 {offsets = [0, 18304], sizes = [32, 128], strides = [1, 1]} : vector<32x32768xf32> to vector<32x128xf32>
    %dot_general3A_433 = arith.constant dense<0.000000e+00> : vector<128x32xf32>
    %dot_general3A_434 = tpu.matmul %select_n3A, %slice3A_432, %dot_general3A_433 {dimension_numbers = #tpu.dot_dimension_numbers<[1], [1], [0], [0], [0, 0, 1, 0], [], []>, transpose_lhs_hint = false} : vector<128x128xf32>, vector<32x128xf32>, vector<128x32xf32> -> vector<128x32xf32>
    %slice3A_435 = vector.extract_strided_slice %get3A_1 {offsets = [0, 18432], sizes = [32, 128], strides = [1, 1]} : vector<32x32768xf32> to vector<32x128xf32>
    %dot_general3A_436 = arith.constant dense<0.000000e+00> : vector<128x32xf32>
    %dot_general3A_437 = tpu.matmul %select_n3A, %slice3A_435, %dot_general3A_436 {dimension_numbers = #tpu.dot_dimension_numbers<[1], [1], [0], [0], [0, 0, 1, 0], [], []>, transpose_lhs_hint = false} : vector<128x128xf32>, vector<32x128xf32>, vector<128x32xf32> -> vector<128x32xf32>
    %slice3A_438 = vector.extract_strided_slice %get3A_1 {offsets = [0, 18560], sizes = [32, 128], strides = [1, 1]} : vector<32x32768xf32> to vector<32x128xf32>
    %dot_general3A_439 = arith.constant dense<0.000000e+00> : vector<128x32xf32>
    %dot_general3A_440 = tpu.matmul %select_n3A, %slice3A_438, %dot_general3A_439 {dimension_numbers = #tpu.dot_dimension_numbers<[1], [1], [0], [0], [0, 0, 1, 0], [], []>, transpose_lhs_hint = false} : vector<128x128xf32>, vector<32x128xf32>, vector<128x32xf32> -> vector<128x32xf32>
    %slice3A_441 = vector.extract_strided_slice %get3A_1 {offsets = [0, 18688], sizes = [32, 128], strides = [1, 1]} : vector<32x32768xf32> to vector<32x128xf32>
    %dot_general3A_442 = arith.constant dense<0.000000e+00> : vector<128x32xf32>
    %dot_general3A_443 = tpu.matmul %select_n3A, %slice3A_441, %dot_general3A_442 {dimension_numbers = #tpu.dot_dimension_numbers<[1], [1], [0], [0], [0, 0, 1, 0], [], []>, transpose_lhs_hint = false} : vector<128x128xf32>, vector<32x128xf32>, vector<128x32xf32> -> vector<128x32xf32>
    %slice3A_444 = vector.extract_strided_slice %get3A_1 {offsets = [0, 18816], sizes = [32, 128], strides = [1, 1]} : vector<32x32768xf32> to vector<32x128xf32>
    %dot_general3A_445 = arith.constant dense<0.000000e+00> : vector<128x32xf32>
    %dot_general3A_446 = tpu.matmul %select_n3A, %slice3A_444, %dot_general3A_445 {dimension_numbers = #tpu.dot_dimension_numbers<[1], [1], [0], [0], [0, 0, 1, 0], [], []>, transpose_lhs_hint = false} : vector<128x128xf32>, vector<32x128xf32>, vector<128x32xf32> -> vector<128x32xf32>
    %slice3A_447 = vector.extract_strided_slice %get3A_1 {offsets = [0, 18944], sizes = [32, 128], strides = [1, 1]} : vector<32x32768xf32> to vector<32x128xf32>
    %dot_general3A_448 = arith.constant dense<0.000000e+00> : vector<128x32xf32>
    %dot_general3A_449 = tpu.matmul %select_n3A, %slice3A_447, %dot_general3A_448 {dimension_numbers = #tpu.dot_dimension_numbers<[1], [1], [0], [0], [0, 0, 1, 0], [], []>, transpose_lhs_hint = false} : vector<128x128xf32>, vector<32x128xf32>, vector<128x32xf32> -> vector<128x32xf32>
    %slice3A_450 = vector.extract_strided_slice %get3A_1 {offsets = [0, 19072], sizes = [32, 128], strides = [1, 1]} : vector<32x32768xf32> to vector<32x128xf32>
    %dot_general3A_451 = arith.constant dense<0.000000e+00> : vector<128x32xf32>
    %dot_general3A_452 = tpu.matmul %select_n3A, %slice3A_450, %dot_general3A_451 {dimension_numbers = #tpu.dot_dimension_numbers<[1], [1], [0], [0], [0, 0, 1, 0], [], []>, transpose_lhs_hint = false} : vector<128x128xf32>, vector<32x128xf32>, vector<128x32xf32> -> vector<128x32xf32>
    %slice3A_453 = vector.extract_strided_slice %get3A_1 {offsets = [0, 19200], sizes = [32, 128], strides = [1, 1]} : vector<32x32768xf32> to vector<32x128xf32>
    %dot_general3A_454 = arith.constant dense<0.000000e+00> : vector<128x32xf32>
    %dot_general3A_455 = tpu.matmul %select_n3A, %slice3A_453, %dot_general3A_454 {dimension_numbers = #tpu.dot_dimension_numbers<[1], [1], [0], [0], [0, 0, 1, 0], [], []>, transpose_lhs_hint = false} : vector<128x128xf32>, vector<32x128xf32>, vector<128x32xf32> -> vector<128x32xf32>
    %slice3A_456 = vector.extract_strided_slice %get3A_1 {offsets = [0, 19328], sizes = [32, 128], strides = [1, 1]} : vector<32x32768xf32> to vector<32x128xf32>
    %dot_general3A_457 = arith.constant dense<0.000000e+00> : vector<128x32xf32>
    %dot_general3A_458 = tpu.matmul %select_n3A, %slice3A_456, %dot_general3A_457 {dimension_numbers = #tpu.dot_dimension_numbers<[1], [1], [0], [0], [0, 0, 1, 0], [], []>, transpose_lhs_hint = false} : vector<128x128xf32>, vector<32x128xf32>, vector<128x32xf32> -> vector<128x32xf32>
    %slice3A_459 = vector.extract_strided_slice %get3A_1 {offsets = [0, 19456], sizes = [32, 128], strides = [1, 1]} : vector<32x32768xf32> to vector<32x128xf32>
    %dot_general3A_460 = arith.constant dense<0.000000e+00> : vector<128x32xf32>
    %dot_general3A_461 = tpu.matmul %select_n3A, %slice3A_459, %dot_general3A_460 {dimension_numbers = #tpu.dot_dimension_numbers<[1], [1], [0], [0], [0, 0, 1, 0], [], []>, transpose_lhs_hint = false} : vector<128x128xf32>, vector<32x128xf32>, vector<128x32xf32> -> vector<128x32xf32>
    %slice3A_462 = vector.extract_strided_slice %get3A_1 {offsets = [0, 19584], sizes = [32, 128], strides = [1, 1]} : vector<32x32768xf32> to vector<32x128xf32>
    %dot_general3A_463 = arith.constant dense<0.000000e+00> : vector<128x32xf32>
    %dot_general3A_464 = tpu.matmul %select_n3A, %slice3A_462, %dot_general3A_463 {dimension_numbers = #tpu.dot_dimension_numbers<[1], [1], [0], [0], [0, 0, 1, 0], [], []>, transpose_lhs_hint = false} : vector<128x128xf32>, vector<32x128xf32>, vector<128x32xf32> -> vector<128x32xf32>
    %slice3A_465 = vector.extract_strided_slice %get3A_1 {offsets = [0, 19712], sizes = [32, 128], strides = [1, 1]} : vector<32x32768xf32> to vector<32x128xf32>
    %dot_general3A_466 = arith.constant dense<0.000000e+00> : vector<128x32xf32>
    %dot_general3A_467 = tpu.matmul %select_n3A, %slice3A_465, %dot_general3A_466 {dimension_numbers = #tpu.dot_dimension_numbers<[1], [1], [0], [0], [0, 0, 1, 0], [], []>, transpose_lhs_hint = false} : vector<128x128xf32>, vector<32x128xf32>, vector<128x32xf32> -> vector<128x32xf32>
    %slice3A_468 = vector.extract_strided_slice %get3A_1 {offsets = [0, 19840], sizes = [32, 128], strides = [1, 1]} : vector<32x32768xf32> to vector<32x128xf32>
    %dot_general3A_469 = arith.constant dense<0.000000e+00> : vector<128x32xf32>
    %dot_general3A_470 = tpu.matmul %select_n3A, %slice3A_468, %dot_general3A_469 {dimension_numbers = #tpu.dot_dimension_numbers<[1], [1], [0], [0], [0, 0, 1, 0], [], []>, transpose_lhs_hint = false} : vector<128x128xf32>, vector<32x128xf32>, vector<128x32xf32> -> vector<128x32xf32>
    %slice3A_471 = vector.extract_strided_slice %get3A_1 {offsets = [0, 19968], sizes = [32, 128], strides = [1, 1]} : vector<32x32768xf32> to vector<32x128xf32>
    %dot_general3A_472 = arith.constant dense<0.000000e+00> : vector<128x32xf32>
    %dot_general3A_473 = tpu.matmul %select_n3A, %slice3A_471, %dot_general3A_472 {dimension_numbers = #tpu.dot_dimension_numbers<[1], [1], [0], [0], [0, 0, 1, 0], [], []>, transpose_lhs_hint = false} : vector<128x128xf32>, vector<32x128xf32>, vector<128x32xf32> -> vector<128x32xf32>
    %slice3A_474 = vector.extract_strided_slice %get3A_1 {offsets = [0, 20096], sizes = [32, 128], strides = [1, 1]} : vector<32x32768xf32> to vector<32x128xf32>
    %dot_general3A_475 = arith.constant dense<0.000000e+00> : vector<128x32xf32>
    %dot_general3A_476 = tpu.matmul %select_n3A, %slice3A_474, %dot_general3A_475 {dimension_numbers = #tpu.dot_dimension_numbers<[1], [1], [0], [0], [0, 0, 1, 0], [], []>, transpose_lhs_hint = false} : vector<128x128xf32>, vector<32x128xf32>, vector<128x32xf32> -> vector<128x32xf32>
    %slice3A_477 = vector.extract_strided_slice %get3A_1 {offsets = [0, 20224], sizes = [32, 128], strides = [1, 1]} : vector<32x32768xf32> to vector<32x128xf32>
    %dot_general3A_478 = arith.constant dense<0.000000e+00> : vector<128x32xf32>
    %dot_general3A_479 = tpu.matmul %select_n3A, %slice3A_477, %dot_general3A_478 {dimension_numbers = #tpu.dot_dimension_numbers<[1], [1], [0], [0], [0, 0, 1, 0], [], []>, transpose_lhs_hint = false} : vector<128x128xf32>, vector<32x128xf32>, vector<128x32xf32> -> vector<128x32xf32>
    %slice3A_480 = vector.extract_strided_slice %get3A_1 {offsets = [0, 20352], sizes = [32, 128], strides = [1, 1]} : vector<32x32768xf32> to vector<32x128xf32>
    %dot_general3A_481 = arith.constant dense<0.000000e+00> : vector<128x32xf32>
    %dot_general3A_482 = tpu.matmul %select_n3A, %slice3A_480, %dot_general3A_481 {dimension_numbers = #tpu.dot_dimension_numbers<[1], [1], [0], [0], [0, 0, 1, 0], [], []>, transpose_lhs_hint = false} : vector<128x128xf32>, vector<32x128xf32>, vector<128x32xf32> -> vector<128x32xf32>
    %slice3A_483 = vector.extract_strided_slice %get3A_1 {offsets = [0, 20480], sizes = [32, 128], strides = [1, 1]} : vector<32x32768xf32> to vector<32x128xf32>
    %dot_general3A_484 = arith.constant dense<0.000000e+00> : vector<128x32xf32>
    %dot_general3A_485 = tpu.matmul %select_n3A, %slice3A_483, %dot_general3A_484 {dimension_numbers = #tpu.dot_dimension_numbers<[1], [1], [0], [0], [0, 0, 1, 0], [], []>, transpose_lhs_hint = false} : vector<128x128xf32>, vector<32x128xf32>, vector<128x32xf32> -> vector<128x32xf32>
    %slice3A_486 = vector.extract_strided_slice %get3A_1 {offsets = [0, 20608], sizes = [32, 128], strides = [1, 1]} : vector<32x32768xf32> to vector<32x128xf32>
    %dot_general3A_487 = arith.constant dense<0.000000e+00> : vector<128x32xf32>
    %dot_general3A_488 = tpu.matmul %select_n3A, %slice3A_486, %dot_general3A_487 {dimension_numbers = #tpu.dot_dimension_numbers<[1], [1], [0], [0], [0, 0, 1, 0], [], []>, transpose_lhs_hint = false} : vector<128x128xf32>, vector<32x128xf32>, vector<128x32xf32> -> vector<128x32xf32>
    %slice3A_489 = vector.extract_strided_slice %get3A_1 {offsets = [0, 20736], sizes = [32, 128], strides = [1, 1]} : vector<32x32768xf32> to vector<32x128xf32>
    %dot_general3A_490 = arith.constant dense<0.000000e+00> : vector<128x32xf32>
    %dot_general3A_491 = tpu.matmul %select_n3A, %slice3A_489, %dot_general3A_490 {dimension_numbers = #tpu.dot_dimension_numbers<[1], [1], [0], [0], [0, 0, 1, 0], [], []>, transpose_lhs_hint = false} : vector<128x128xf32>, vector<32x128xf32>, vector<128x32xf32> -> vector<128x32xf32>
    %slice3A_492 = vector.extract_strided_slice %get3A_1 {offsets = [0, 20864], sizes = [32, 128], strides = [1, 1]} : vector<32x32768xf32> to vector<32x128xf32>
    %dot_general3A_493 = arith.constant dense<0.000000e+00> : vector<128x32xf32>
    %dot_general3A_494 = tpu.matmul %select_n3A, %slice3A_492, %dot_general3A_493 {dimension_numbers = #tpu.dot_dimension_numbers<[1], [1], [0], [0], [0, 0, 1, 0], [], []>, transpose_lhs_hint = false} : vector<128x128xf32>, vector<32x128xf32>, vector<128x32xf32> -> vector<128x32xf32>
    %slice3A_495 = vector.extract_strided_slice %get3A_1 {offsets = [0, 20992], sizes = [32, 128], strides = [1, 1]} : vector<32x32768xf32> to vector<32x128xf32>
    %dot_general3A_496 = arith.constant dense<0.000000e+00> : vector<128x32xf32>
    %dot_general3A_497 = tpu.matmul %select_n3A, %slice3A_495, %dot_general3A_496 {dimension_numbers = #tpu.dot_dimension_numbers<[1], [1], [0], [0], [0, 0, 1, 0], [], []>, transpose_lhs_hint = false} : vector<128x128xf32>, vector<32x128xf32>, vector<128x32xf32> -> vector<128x32xf32>
    %slice3A_498 = vector.extract_strided_slice %get3A_1 {offsets = [0, 21120], sizes = [32, 128], strides = [1, 1]} : vector<32x32768xf32> to vector<32x128xf32>
    %dot_general3A_499 = arith.constant dense<0.000000e+00> : vector<128x32xf32>
    %dot_general3A_500 = tpu.matmul %select_n3A, %slice3A_498, %dot_general3A_499 {dimension_numbers = #tpu.dot_dimension_numbers<[1], [1], [0], [0], [0, 0, 1, 0], [], []>, transpose_lhs_hint = false} : vector<128x128xf32>, vector<32x128xf32>, vector<128x32xf32> -> vector<128x32xf32>
    %slice3A_501 = vector.extract_strided_slice %get3A_1 {offsets = [0, 21248], sizes = [32, 128], strides = [1, 1]} : vector<32x32768xf32> to vector<32x128xf32>
    %dot_general3A_502 = arith.constant dense<0.000000e+00> : vector<128x32xf32>
    %dot_general3A_503 = tpu.matmul %select_n3A, %slice3A_501, %dot_general3A_502 {dimension_numbers = #tpu.dot_dimension_numbers<[1], [1], [0], [0], [0, 0, 1, 0], [], []>, transpose_lhs_hint = false} : vector<128x128xf32>, vector<32x128xf32>, vector<128x32xf32> -> vector<128x32xf32>
    %slice3A_504 = vector.extract_strided_slice %get3A_1 {offsets = [0, 21376], sizes = [32, 128], strides = [1, 1]} : vector<32x32768xf32> to vector<32x128xf32>
    %dot_general3A_505 = arith.constant dense<0.000000e+00> : vector<128x32xf32>
    %dot_general3A_506 = tpu.matmul %select_n3A, %slice3A_504, %dot_general3A_505 {dimension_numbers = #tpu.dot_dimension_numbers<[1], [1], [0], [0], [0, 0, 1, 0], [], []>, transpose_lhs_hint = false} : vector<128x128xf32>, vector<32x128xf32>, vector<128x32xf32> -> vector<128x32xf32>
    %slice3A_507 = vector.extract_strided_slice %get3A_1 {offsets = [0, 21504], sizes = [32, 128], strides = [1, 1]} : vector<32x32768xf32> to vector<32x128xf32>
    %dot_general3A_508 = arith.constant dense<0.000000e+00> : vector<128x32xf32>
    %dot_general3A_509 = tpu.matmul %select_n3A, %slice3A_507, %dot_general3A_508 {dimension_numbers = #tpu.dot_dimension_numbers<[1], [1], [0], [0], [0, 0, 1, 0], [], []>, transpose_lhs_hint = false} : vector<128x128xf32>, vector<32x128xf32>, vector<128x32xf32> -> vector<128x32xf32>
    %slice3A_510 = vector.extract_strided_slice %get3A_1 {offsets = [0, 21632], sizes = [32, 128], strides = [1, 1]} : vector<32x32768xf32> to vector<32x128xf32>
    %dot_general3A_511 = arith.constant dense<0.000000e+00> : vector<128x32xf32>
    %dot_general3A_512 = tpu.matmul %select_n3A, %slice3A_510, %dot_general3A_511 {dimension_numbers = #tpu.dot_dimension_numbers<[1], [1], [0], [0], [0, 0, 1, 0], [], []>, transpose_lhs_hint = false} : vector<128x128xf32>, vector<32x128xf32>, vector<128x32xf32> -> vector<128x32xf32>
    %slice3A_513 = vector.extract_strided_slice %get3A_1 {offsets = [0, 21760], sizes = [32, 128], strides = [1, 1]} : vector<32x32768xf32> to vector<32x128xf32>
    %dot_general3A_514 = arith.constant dense<0.000000e+00> : vector<128x32xf32>
    %dot_general3A_515 = tpu.matmul %select_n3A, %slice3A_513, %dot_general3A_514 {dimension_numbers = #tpu.dot_dimension_numbers<[1], [1], [0], [0], [0, 0, 1, 0], [], []>, transpose_lhs_hint = false} : vector<128x128xf32>, vector<32x128xf32>, vector<128x32xf32> -> vector<128x32xf32>
    %slice3A_516 = vector.extract_strided_slice %get3A_1 {offsets = [0, 21888], sizes = [32, 128], strides = [1, 1]} : vector<32x32768xf32> to vector<32x128xf32>
    %dot_general3A_517 = arith.constant dense<0.000000e+00> : vector<128x32xf32>
    %dot_general3A_518 = tpu.matmul %select_n3A, %slice3A_516, %dot_general3A_517 {dimension_numbers = #tpu.dot_dimension_numbers<[1], [1], [0], [0], [0, 0, 1, 0], [], []>, transpose_lhs_hint = false} : vector<128x128xf32>, vector<32x128xf32>, vector<128x32xf32> -> vector<128x32xf32>
    %slice3A_519 = vector.extract_strided_slice %get3A_1 {offsets = [0, 22016], sizes = [32, 128], strides = [1, 1]} : vector<32x32768xf32> to vector<32x128xf32>
    %dot_general3A_520 = arith.constant dense<0.000000e+00> : vector<128x32xf32>
    %dot_general3A_521 = tpu.matmul %select_n3A, %slice3A_519, %dot_general3A_520 {dimension_numbers = #tpu.dot_dimension_numbers<[1], [1], [0], [0], [0, 0, 1, 0], [], []>, transpose_lhs_hint = false} : vector<128x128xf32>, vector<32x128xf32>, vector<128x32xf32> -> vector<128x32xf32>
    %slice3A_522 = vector.extract_strided_slice %get3A_1 {offsets = [0, 22144], sizes = [32, 128], strides = [1, 1]} : vector<32x32768xf32> to vector<32x128xf32>
    %dot_general3A_523 = arith.constant dense<0.000000e+00> : vector<128x32xf32>
    %dot_general3A_524 = tpu.matmul %select_n3A, %slice3A_522, %dot_general3A_523 {dimension_numbers = #tpu.dot_dimension_numbers<[1], [1], [0], [0], [0, 0, 1, 0], [], []>, transpose_lhs_hint = false} : vector<128x128xf32>, vector<32x128xf32>, vector<128x32xf32> -> vector<128x32xf32>
    %slice3A_525 = vector.extract_strided_slice %get3A_1 {offsets = [0, 22272], sizes = [32, 128], strides = [1, 1]} : vector<32x32768xf32> to vector<32x128xf32>
    %dot_general3A_526 = arith.constant dense<0.000000e+00> : vector<128x32xf32>
    %dot_general3A_527 = tpu.matmul %select_n3A, %slice3A_525, %dot_general3A_526 {dimension_numbers = #tpu.dot_dimension_numbers<[1], [1], [0], [0], [0, 0, 1, 0], [], []>, transpose_lhs_hint = false} : vector<128x128xf32>, vector<32x128xf32>, vector<128x32xf32> -> vector<128x32xf32>
    %slice3A_528 = vector.extract_strided_slice %get3A_1 {offsets = [0, 22400], sizes = [32, 128], strides = [1, 1]} : vector<32x32768xf32> to vector<32x128xf32>
    %dot_general3A_529 = arith.constant dense<0.000000e+00> : vector<128x32xf32>
    %dot_general3A_530 = tpu.matmul %select_n3A, %slice3A_528, %dot_general3A_529 {dimension_numbers = #tpu.dot_dimension_numbers<[1], [1], [0], [0], [0, 0, 1, 0], [], []>, transpose_lhs_hint = false} : vector<128x128xf32>, vector<32x128xf32>, vector<128x32xf32> -> vector<128x32xf32>
    %slice3A_531 = vector.extract_strided_slice %get3A_1 {offsets = [0, 22528], sizes = [32, 128], strides = [1, 1]} : vector<32x32768xf32> to vector<32x128xf32>
    %dot_general3A_532 = arith.constant dense<0.000000e+00> : vector<128x32xf32>
    %dot_general3A_533 = tpu.matmul %select_n3A, %slice3A_531, %dot_general3A_532 {dimension_numbers = #tpu.dot_dimension_numbers<[1], [1], [0], [0], [0, 0, 1, 0], [], []>, transpose_lhs_hint = false} : vector<128x128xf32>, vector<32x128xf32>, vector<128x32xf32> -> vector<128x32xf32>
    %slice3A_534 = vector.extract_strided_slice %get3A_1 {offsets = [0, 22656], sizes = [32, 128], strides = [1, 1]} : vector<32x32768xf32> to vector<32x128xf32>
    %dot_general3A_535 = arith.constant dense<0.000000e+00> : vector<128x32xf32>
    %dot_general3A_536 = tpu.matmul %select_n3A, %slice3A_534, %dot_general3A_535 {dimension_numbers = #tpu.dot_dimension_numbers<[1], [1], [0], [0], [0, 0, 1, 0], [], []>, transpose_lhs_hint = false} : vector<128x128xf32>, vector<32x128xf32>, vector<128x32xf32> -> vector<128x32xf32>
    %slice3A_537 = vector.extract_strided_slice %get3A_1 {offsets = [0, 22784], sizes = [32, 128], strides = [1, 1]} : vector<32x32768xf32> to vector<32x128xf32>
    %dot_general3A_538 = arith.constant dense<0.000000e+00> : vector<128x32xf32>
    %dot_general3A_539 = tpu.matmul %select_n3A, %slice3A_537, %dot_general3A_538 {dimension_numbers = #tpu.dot_dimension_numbers<[1], [1], [0], [0], [0, 0, 1, 0], [], []>, transpose_lhs_hint = false} : vector<128x128xf32>, vector<32x128xf32>, vector<128x32xf32> -> vector<128x32xf32>
    %slice3A_540 = vector.extract_strided_slice %get3A_1 {offsets = [0, 22912], sizes = [32, 128], strides = [1, 1]} : vector<32x32768xf32> to vector<32x128xf32>
    %dot_general3A_541 = arith.constant dense<0.000000e+00> : vector<128x32xf32>
    %dot_general3A_542 = tpu.matmul %select_n3A, %slice3A_540, %dot_general3A_541 {dimension_numbers = #tpu.dot_dimension_numbers<[1], [1], [0], [0], [0, 0, 1, 0], [], []>, transpose_lhs_hint = false} : vector<128x128xf32>, vector<32x128xf32>, vector<128x32xf32> -> vector<128x32xf32>
    %slice3A_543 = vector.extract_strided_slice %get3A_1 {offsets = [0, 23040], sizes = [32, 128], strides = [1, 1]} : vector<32x32768xf32> to vector<32x128xf32>
    %dot_general3A_544 = arith.constant dense<0.000000e+00> : vector<128x32xf32>
    %dot_general3A_545 = tpu.matmul %select_n3A, %slice3A_543, %dot_general3A_544 {dimension_numbers = #tpu.dot_dimension_numbers<[1], [1], [0], [0], [0, 0, 1, 0], [], []>, transpose_lhs_hint = false} : vector<128x128xf32>, vector<32x128xf32>, vector<128x32xf32> -> vector<128x32xf32>
    %slice3A_546 = vector.extract_strided_slice %get3A_1 {offsets = [0, 23168], sizes = [32, 128], strides = [1, 1]} : vector<32x32768xf32> to vector<32x128xf32>
    %dot_general3A_547 = arith.constant dense<0.000000e+00> : vector<128x32xf32>
    %dot_general3A_548 = tpu.matmul %select_n3A, %slice3A_546, %dot_general3A_547 {dimension_numbers = #tpu.dot_dimension_numbers<[1], [1], [0], [0], [0, 0, 1, 0], [], []>, transpose_lhs_hint = false} : vector<128x128xf32>, vector<32x128xf32>, vector<128x32xf32> -> vector<128x32xf32>
    %slice3A_549 = vector.extract_strided_slice %get3A_1 {offsets = [0, 23296], sizes = [32, 128], strides = [1, 1]} : vector<32x32768xf32> to vector<32x128xf32>
    %dot_general3A_550 = arith.constant dense<0.000000e+00> : vector<128x32xf32>
    %dot_general3A_551 = tpu.matmul %select_n3A, %slice3A_549, %dot_general3A_550 {dimension_numbers = #tpu.dot_dimension_numbers<[1], [1], [0], [0], [0, 0, 1, 0], [], []>, transpose_lhs_hint = false} : vector<128x128xf32>, vector<32x128xf32>, vector<128x32xf32> -> vector<128x32xf32>
    %slice3A_552 = vector.extract_strided_slice %get3A_1 {offsets = [0, 23424], sizes = [32, 128], strides = [1, 1]} : vector<32x32768xf32> to vector<32x128xf32>
    %dot_general3A_553 = arith.constant dense<0.000000e+00> : vector<128x32xf32>
    %dot_general3A_554 = tpu.matmul %select_n3A, %slice3A_552, %dot_general3A_553 {dimension_numbers = #tpu.dot_dimension_numbers<[1], [1], [0], [0], [0, 0, 1, 0], [], []>, transpose_lhs_hint = false} : vector<128x128xf32>, vector<32x128xf32>, vector<128x32xf32> -> vector<128x32xf32>
    %slice3A_555 = vector.extract_strided_slice %get3A_1 {offsets = [0, 23552], sizes = [32, 128], strides = [1, 1]} : vector<32x32768xf32> to vector<32x128xf32>
    %dot_general3A_556 = arith.constant dense<0.000000e+00> : vector<128x32xf32>
    %dot_general3A_557 = tpu.matmul %select_n3A, %slice3A_555, %dot_general3A_556 {dimension_numbers = #tpu.dot_dimension_numbers<[1], [1], [0], [0], [0, 0, 1, 0], [], []>, transpose_lhs_hint = false} : vector<128x128xf32>, vector<32x128xf32>, vector<128x32xf32> -> vector<128x32xf32>
    %slice3A_558 = vector.extract_strided_slice %get3A_1 {offsets = [0, 23680], sizes = [32, 128], strides = [1, 1]} : vector<32x32768xf32> to vector<32x128xf32>
    %dot_general3A_559 = arith.constant dense<0.000000e+00> : vector<128x32xf32>
    %dot_general3A_560 = tpu.matmul %select_n3A, %slice3A_558, %dot_general3A_559 {dimension_numbers = #tpu.dot_dimension_numbers<[1], [1], [0], [0], [0, 0, 1, 0], [], []>, transpose_lhs_hint = false} : vector<128x128xf32>, vector<32x128xf32>, vector<128x32xf32> -> vector<128x32xf32>
    %slice3A_561 = vector.extract_strided_slice %get3A_1 {offsets = [0, 23808], sizes = [32, 128], strides = [1, 1]} : vector<32x32768xf32> to vector<32x128xf32>
    %dot_general3A_562 = arith.constant dense<0.000000e+00> : vector<128x32xf32>
    %dot_general3A_563 = tpu.matmul %select_n3A, %slice3A_561, %dot_general3A_562 {dimension_numbers = #tpu.dot_dimension_numbers<[1], [1], [0], [0], [0, 0, 1, 0], [], []>, transpose_lhs_hint = false} : vector<128x128xf32>, vector<32x128xf32>, vector<128x32xf32> -> vector<128x32xf32>
    %slice3A_564 = vector.extract_strided_slice %get3A_1 {offsets = [0, 23936], sizes = [32, 128], strides = [1, 1]} : vector<32x32768xf32> to vector<32x128xf32>
    %dot_general3A_565 = arith.constant dense<0.000000e+00> : vector<128x32xf32>
    %dot_general3A_566 = tpu.matmul %select_n3A, %slice3A_564, %dot_general3A_565 {dimension_numbers = #tpu.dot_dimension_numbers<[1], [1], [0], [0], [0, 0, 1, 0], [], []>, transpose_lhs_hint = false} : vector<128x128xf32>, vector<32x128xf32>, vector<128x32xf32> -> vector<128x32xf32>
    %slice3A_567 = vector.extract_strided_slice %get3A_1 {offsets = [0, 24064], sizes = [32, 128], strides = [1, 1]} : vector<32x32768xf32> to vector<32x128xf32>
    %dot_general3A_568 = arith.constant dense<0.000000e+00> : vector<128x32xf32>
    %dot_general3A_569 = tpu.matmul %select_n3A, %slice3A_567, %dot_general3A_568 {dimension_numbers = #tpu.dot_dimension_numbers<[1], [1], [0], [0], [0, 0, 1, 0], [], []>, transpose_lhs_hint = false} : vector<128x128xf32>, vector<32x128xf32>, vector<128x32xf32> -> vector<128x32xf32>
    %slice3A_570 = vector.extract_strided_slice %get3A_1 {offsets = [0, 24192], sizes = [32, 128], strides = [1, 1]} : vector<32x32768xf32> to vector<32x128xf32>
    %dot_general3A_571 = arith.constant dense<0.000000e+00> : vector<128x32xf32>
    %dot_general3A_572 = tpu.matmul %select_n3A, %slice3A_570, %dot_general3A_571 {dimension_numbers = #tpu.dot_dimension_numbers<[1], [1], [0], [0], [0, 0, 1, 0], [], []>, transpose_lhs_hint = false} : vector<128x128xf32>, vector<32x128xf32>, vector<128x32xf32> -> vector<128x32xf32>
    %slice3A_573 = vector.extract_strided_slice %get3A_1 {offsets = [0, 24320], sizes = [32, 128], strides = [1, 1]} : vector<32x32768xf32> to vector<32x128xf32>
    %dot_general3A_574 = arith.constant dense<0.000000e+00> : vector<128x32xf32>
    %dot_general3A_575 = tpu.matmul %select_n3A, %slice3A_573, %dot_general3A_574 {dimension_numbers = #tpu.dot_dimension_numbers<[1], [1], [0], [0], [0, 0, 1, 0], [], []>, transpose_lhs_hint = false} : vector<128x128xf32>, vector<32x128xf32>, vector<128x32xf32> -> vector<128x32xf32>
    %slice3A_576 = vector.extract_strided_slice %get3A_1 {offsets = [0, 24448], sizes = [32, 128], strides = [1, 1]} : vector<32x32768xf32> to vector<32x128xf32>
    %dot_general3A_577 = arith.constant dense<0.000000e+00> : vector<128x32xf32>
    %dot_general3A_578 = tpu.matmul %select_n3A, %slice3A_576, %dot_general3A_577 {dimension_numbers = #tpu.dot_dimension_numbers<[1], [1], [0], [0], [0, 0, 1, 0], [], []>, transpose_lhs_hint = false} : vector<128x128xf32>, vector<32x128xf32>, vector<128x32xf32> -> vector<128x32xf32>
    %slice3A_579 = vector.extract_strided_slice %get3A_1 {offsets = [0, 24576], sizes = [32, 128], strides = [1, 1]} : vector<32x32768xf32> to vector<32x128xf32>
    %dot_general3A_580 = arith.constant dense<0.000000e+00> : vector<128x32xf32>
    %dot_general3A_581 = tpu.matmul %select_n3A, %slice3A_579, %dot_general3A_580 {dimension_numbers = #tpu.dot_dimension_numbers<[1], [1], [0], [0], [0, 0, 1, 0], [], []>, transpose_lhs_hint = false} : vector<128x128xf32>, vector<32x128xf32>, vector<128x32xf32> -> vector<128x32xf32>
    %slice3A_582 = vector.extract_strided_slice %get3A_1 {offsets = [0, 24704], sizes = [32, 128], strides = [1, 1]} : vector<32x32768xf32> to vector<32x128xf32>
    %dot_general3A_583 = arith.constant dense<0.000000e+00> : vector<128x32xf32>
    %dot_general3A_584 = tpu.matmul %select_n3A, %slice3A_582, %dot_general3A_583 {dimension_numbers = #tpu.dot_dimension_numbers<[1], [1], [0], [0], [0, 0, 1, 0], [], []>, transpose_lhs_hint = false} : vector<128x128xf32>, vector<32x128xf32>, vector<128x32xf32> -> vector<128x32xf32>
    %slice3A_585 = vector.extract_strided_slice %get3A_1 {offsets = [0, 24832], sizes = [32, 128], strides = [1, 1]} : vector<32x32768xf32> to vector<32x128xf32>
    %dot_general3A_586 = arith.constant dense<0.000000e+00> : vector<128x32xf32>
    %dot_general3A_587 = tpu.matmul %select_n3A, %slice3A_585, %dot_general3A_586 {dimension_numbers = #tpu.dot_dimension_numbers<[1], [1], [0], [0], [0, 0, 1, 0], [], []>, transpose_lhs_hint = false} : vector<128x128xf32>, vector<32x128xf32>, vector<128x32xf32> -> vector<128x32xf32>
    %slice3A_588 = vector.extract_strided_slice %get3A_1 {offsets = [0, 24960], sizes = [32, 128], strides = [1, 1]} : vector<32x32768xf32> to vector<32x128xf32>
    %dot_general3A_589 = arith.constant dense<0.000000e+00> : vector<128x32xf32>
    %dot_general3A_590 = tpu.matmul %select_n3A, %slice3A_588, %dot_general3A_589 {dimension_numbers = #tpu.dot_dimension_numbers<[1], [1], [0], [0], [0, 0, 1, 0], [], []>, transpose_lhs_hint = false} : vector<128x128xf32>, vector<32x128xf32>, vector<128x32xf32> -> vector<128x32xf32>
    %slice3A_591 = vector.extract_strided_slice %get3A_1 {offsets = [0, 25088], sizes = [32, 128], strides = [1, 1]} : vector<32x32768xf32> to vector<32x128xf32>
    %dot_general3A_592 = arith.constant dense<0.000000e+00> : vector<128x32xf32>
    %dot_general3A_593 = tpu.matmul %select_n3A, %slice3A_591, %dot_general3A_592 {dimension_numbers = #tpu.dot_dimension_numbers<[1], [1], [0], [0], [0, 0, 1, 0], [], []>, transpose_lhs_hint = false} : vector<128x128xf32>, vector<32x128xf32>, vector<128x32xf32> -> vector<128x32xf32>
    %slice3A_594 = vector.extract_strided_slice %get3A_1 {offsets = [0, 25216], sizes = [32, 128], strides = [1, 1]} : vector<32x32768xf32> to vector<32x128xf32>
    %dot_general3A_595 = arith.constant dense<0.000000e+00> : vector<128x32xf32>
    %dot_general3A_596 = tpu.matmul %select_n3A, %slice3A_594, %dot_general3A_595 {dimension_numbers = #tpu.dot_dimension_numbers<[1], [1], [0], [0], [0, 0, 1, 0], [], []>, transpose_lhs_hint = false} : vector<128x128xf32>, vector<32x128xf32>, vector<128x32xf32> -> vector<128x32xf32>
    %slice3A_597 = vector.extract_strided_slice %get3A_1 {offsets = [0, 25344], sizes = [32, 128], strides = [1, 1]} : vector<32x32768xf32> to vector<32x128xf32>
    %dot_general3A_598 = arith.constant dense<0.000000e+00> : vector<128x32xf32>
    %dot_general3A_599 = tpu.matmul %select_n3A, %slice3A_597, %dot_general3A_598 {dimension_numbers = #tpu.dot_dimension_numbers<[1], [1], [0], [0], [0, 0, 1, 0], [], []>, transpose_lhs_hint = false} : vector<128x128xf32>, vector<32x128xf32>, vector<128x32xf32> -> vector<128x32xf32>
    %slice3A_600 = vector.extract_strided_slice %get3A_1 {offsets = [0, 25472], sizes = [32, 128], strides = [1, 1]} : vector<32x32768xf32> to vector<32x128xf32>
    %dot_general3A_601 = arith.constant dense<0.000000e+00> : vector<128x32xf32>
    %dot_general3A_602 = tpu.matmul %select_n3A, %slice3A_600, %dot_general3A_601 {dimension_numbers = #tpu.dot_dimension_numbers<[1], [1], [0], [0], [0, 0, 1, 0], [], []>, transpose_lhs_hint = false} : vector<128x128xf32>, vector<32x128xf32>, vector<128x32xf32> -> vector<128x32xf32>
    %slice3A_603 = vector.extract_strided_slice %get3A_1 {offsets = [0, 25600], sizes = [32, 128], strides = [1, 1]} : vector<32x32768xf32> to vector<32x128xf32>
    %dot_general3A_604 = arith.constant dense<0.000000e+00> : vector<128x32xf32>
    %dot_general3A_605 = tpu.matmul %select_n3A, %slice3A_603, %dot_general3A_604 {dimension_numbers = #tpu.dot_dimension_numbers<[1], [1], [0], [0], [0, 0, 1, 0], [], []>, transpose_lhs_hint = false} : vector<128x128xf32>, vector<32x128xf32>, vector<128x32xf32> -> vector<128x32xf32>
    %slice3A_606 = vector.extract_strided_slice %get3A_1 {offsets = [0, 25728], sizes = [32, 128], strides = [1, 1]} : vector<32x32768xf32> to vector<32x128xf32>
    %dot_general3A_607 = arith.constant dense<0.000000e+00> : vector<128x32xf32>
    %dot_general3A_608 = tpu.matmul %select_n3A, %slice3A_606, %dot_general3A_607 {dimension_numbers = #tpu.dot_dimension_numbers<[1], [1], [0], [0], [0, 0, 1, 0], [], []>, transpose_lhs_hint = false} : vector<128x128xf32>, vector<32x128xf32>, vector<128x32xf32> -> vector<128x32xf32>
    %slice3A_609 = vector.extract_strided_slice %get3A_1 {offsets = [0, 25856], sizes = [32, 128], strides = [1, 1]} : vector<32x32768xf32> to vector<32x128xf32>
    %dot_general3A_610 = arith.constant dense<0.000000e+00> : vector<128x32xf32>
    %dot_general3A_611 = tpu.matmul %select_n3A, %slice3A_609, %dot_general3A_610 {dimension_numbers = #tpu.dot_dimension_numbers<[1], [1], [0], [0], [0, 0, 1, 0], [], []>, transpose_lhs_hint = false} : vector<128x128xf32>, vector<32x128xf32>, vector<128x32xf32> -> vector<128x32xf32>
    %slice3A_612 = vector.extract_strided_slice %get3A_1 {offsets = [0, 25984], sizes = [32, 128], strides = [1, 1]} : vector<32x32768xf32> to vector<32x128xf32>
    %dot_general3A_613 = arith.constant dense<0.000000e+00> : vector<128x32xf32>
    %dot_general3A_614 = tpu.matmul %select_n3A, %slice3A_612, %dot_general3A_613 {dimension_numbers = #tpu.dot_dimension_numbers<[1], [1], [0], [0], [0, 0, 1, 0], [], []>, transpose_lhs_hint = false} : vector<128x128xf32>, vector<32x128xf32>, vector<128x32xf32> -> vector<128x32xf32>
    %slice3A_615 = vector.extract_strided_slice %get3A_1 {offsets = [0, 26112], sizes = [32, 128], strides = [1, 1]} : vector<32x32768xf32> to vector<32x128xf32>
    %dot_general3A_616 = arith.constant dense<0.000000e+00> : vector<128x32xf32>
    %dot_general3A_617 = tpu.matmul %select_n3A, %slice3A_615, %dot_general3A_616 {dimension_numbers = #tpu.dot_dimension_numbers<[1], [1], [0], [0], [0, 0, 1, 0], [], []>, transpose_lhs_hint = false} : vector<128x128xf32>, vector<32x128xf32>, vector<128x32xf32> -> vector<128x32xf32>
    %slice3A_618 = vector.extract_strided_slice %get3A_1 {offsets = [0, 26240], sizes = [32, 128], strides = [1, 1]} : vector<32x32768xf32> to vector<32x128xf32>
    %dot_general3A_619 = arith.constant dense<0.000000e+00> : vector<128x32xf32>
    %dot_general3A_620 = tpu.matmul %select_n3A, %slice3A_618, %dot_general3A_619 {dimension_numbers = #tpu.dot_dimension_numbers<[1], [1], [0], [0], [0, 0, 1, 0], [], []>, transpose_lhs_hint = false} : vector<128x128xf32>, vector<32x128xf32>, vector<128x32xf32> -> vector<128x32xf32>
    %slice3A_621 = vector.extract_strided_slice %get3A_1 {offsets = [0, 26368], sizes = [32, 128], strides = [1, 1]} : vector<32x32768xf32> to vector<32x128xf32>
    %dot_general3A_622 = arith.constant dense<0.000000e+00> : vector<128x32xf32>
    %dot_general3A_623 = tpu.matmul %select_n3A, %slice3A_621, %dot_general3A_622 {dimension_numbers = #tpu.dot_dimension_numbers<[1], [1], [0], [0], [0, 0, 1, 0], [], []>, transpose_lhs_hint = false} : vector<128x128xf32>, vector<32x128xf32>, vector<128x32xf32> -> vector<128x32xf32>
    %slice3A_624 = vector.extract_strided_slice %get3A_1 {offsets = [0, 26496], sizes = [32, 128], strides = [1, 1]} : vector<32x32768xf32> to vector<32x128xf32>
    %dot_general3A_625 = arith.constant dense<0.000000e+00> : vector<128x32xf32>
    %dot_general3A_626 = tpu.matmul %select_n3A, %slice3A_624, %dot_general3A_625 {dimension_numbers = #tpu.dot_dimension_numbers<[1], [1], [0], [0], [0, 0, 1, 0], [], []>, transpose_lhs_hint = false} : vector<128x128xf32>, vector<32x128xf32>, vector<128x32xf32> -> vector<128x32xf32>
    %slice3A_627 = vector.extract_strided_slice %get3A_1 {offsets = [0, 26624], sizes = [32, 128], strides = [1, 1]} : vector<32x32768xf32> to vector<32x128xf32>
    %dot_general3A_628 = arith.constant dense<0.000000e+00> : vector<128x32xf32>
    %dot_general3A_629 = tpu.matmul %select_n3A, %slice3A_627, %dot_general3A_628 {dimension_numbers = #tpu.dot_dimension_numbers<[1], [1], [0], [0], [0, 0, 1, 0], [], []>, transpose_lhs_hint = false} : vector<128x128xf32>, vector<32x128xf32>, vector<128x32xf32> -> vector<128x32xf32>
    %slice3A_630 = vector.extract_strided_slice %get3A_1 {offsets = [0, 26752], sizes = [32, 128], strides = [1, 1]} : vector<32x32768xf32> to vector<32x128xf32>
    %dot_general3A_631 = arith.constant dense<0.000000e+00> : vector<128x32xf32>
    %dot_general3A_632 = tpu.matmul %select_n3A, %slice3A_630, %dot_general3A_631 {dimension_numbers = #tpu.dot_dimension_numbers<[1], [1], [0], [0], [0, 0, 1, 0], [], []>, transpose_lhs_hint = false} : vector<128x128xf32>, vector<32x128xf32>, vector<128x32xf32> -> vector<128x32xf32>
    %slice3A_633 = vector.extract_strided_slice %get3A_1 {offsets = [0, 26880], sizes = [32, 128], strides = [1, 1]} : vector<32x32768xf32> to vector<32x128xf32>
    %dot_general3A_634 = arith.constant dense<0.000000e+00> : vector<128x32xf32>
    %dot_general3A_635 = tpu.matmul %select_n3A, %slice3A_633, %dot_general3A_634 {dimension_numbers = #tpu.dot_dimension_numbers<[1], [1], [0], [0], [0, 0, 1, 0], [], []>, transpose_lhs_hint = false} : vector<128x128xf32>, vector<32x128xf32>, vector<128x32xf32> -> vector<128x32xf32>
    %slice3A_636 = vector.extract_strided_slice %get3A_1 {offsets = [0, 27008], sizes = [32, 128], strides = [1, 1]} : vector<32x32768xf32> to vector<32x128xf32>
    %dot_general3A_637 = arith.constant dense<0.000000e+00> : vector<128x32xf32>
    %dot_general3A_638 = tpu.matmul %select_n3A, %slice3A_636, %dot_general3A_637 {dimension_numbers = #tpu.dot_dimension_numbers<[1], [1], [0], [0], [0, 0, 1, 0], [], []>, transpose_lhs_hint = false} : vector<128x128xf32>, vector<32x128xf32>, vector<128x32xf32> -> vector<128x32xf32>
    %slice3A_639 = vector.extract_strided_slice %get3A_1 {offsets = [0, 27136], sizes = [32, 128], strides = [1, 1]} : vector<32x32768xf32> to vector<32x128xf32>
    %dot_general3A_640 = arith.constant dense<0.000000e+00> : vector<128x32xf32>
    %dot_general3A_641 = tpu.matmul %select_n3A, %slice3A_639, %dot_general3A_640 {dimension_numbers = #tpu.dot_dimension_numbers<[1], [1], [0], [0], [0, 0, 1, 0], [], []>, transpose_lhs_hint = false} : vector<128x128xf32>, vector<32x128xf32>, vector<128x32xf32> -> vector<128x32xf32>
    %slice3A_642 = vector.extract_strided_slice %get3A_1 {offsets = [0, 27264], sizes = [32, 128], strides = [1, 1]} : vector<32x32768xf32> to vector<32x128xf32>
    %dot_general3A_643 = arith.constant dense<0.000000e+00> : vector<128x32xf32>
    %dot_general3A_644 = tpu.matmul %select_n3A, %slice3A_642, %dot_general3A_643 {dimension_numbers = #tpu.dot_dimension_numbers<[1], [1], [0], [0], [0, 0, 1, 0], [], []>, transpose_lhs_hint = false} : vector<128x128xf32>, vector<32x128xf32>, vector<128x32xf32> -> vector<128x32xf32>
    %slice3A_645 = vector.extract_strided_slice %get3A_1 {offsets = [0, 27392], sizes = [32, 128], strides = [1, 1]} : vector<32x32768xf32> to vector<32x128xf32>
    %dot_general3A_646 = arith.constant dense<0.000000e+00> : vector<128x32xf32>
    %dot_general3A_647 = tpu.matmul %select_n3A, %slice3A_645, %dot_general3A_646 {dimension_numbers = #tpu.dot_dimension_numbers<[1], [1], [0], [0], [0, 0, 1, 0], [], []>, transpose_lhs_hint = false} : vector<128x128xf32>, vector<32x128xf32>, vector<128x32xf32> -> vector<128x32xf32>
    %slice3A_648 = vector.extract_strided_slice %get3A_1 {offsets = [0, 27520], sizes = [32, 128], strides = [1, 1]} : vector<32x32768xf32> to vector<32x128xf32>
    %dot_general3A_649 = arith.constant dense<0.000000e+00> : vector<128x32xf32>
    %dot_general3A_650 = tpu.matmul %select_n3A, %slice3A_648, %dot_general3A_649 {dimension_numbers = #tpu.dot_dimension_numbers<[1], [1], [0], [0], [0, 0, 1, 0], [], []>, transpose_lhs_hint = false} : vector<128x128xf32>, vector<32x128xf32>, vector<128x32xf32> -> vector<128x32xf32>
    %slice3A_651 = vector.extract_strided_slice %get3A_1 {offsets = [0, 27648], sizes = [32, 128], strides = [1, 1]} : vector<32x32768xf32> to vector<32x128xf32>
    %dot_general3A_652 = arith.constant dense<0.000000e+00> : vector<128x32xf32>
    %dot_general3A_653 = tpu.matmul %select_n3A, %slice3A_651, %dot_general3A_652 {dimension_numbers = #tpu.dot_dimension_numbers<[1], [1], [0], [0], [0, 0, 1, 0], [], []>, transpose_lhs_hint = false} : vector<128x128xf32>, vector<32x128xf32>, vector<128x32xf32> -> vector<128x32xf32>
    %slice3A_654 = vector.extract_strided_slice %get3A_1 {offsets = [0, 27776], sizes = [32, 128], strides = [1, 1]} : vector<32x32768xf32> to vector<32x128xf32>
    %dot_general3A_655 = arith.constant dense<0.000000e+00> : vector<128x32xf32>
    %dot_general3A_656 = tpu.matmul %select_n3A, %slice3A_654, %dot_general3A_655 {dimension_numbers = #tpu.dot_dimension_numbers<[1], [1], [0], [0], [0, 0, 1, 0], [], []>, transpose_lhs_hint = false} : vector<128x128xf32>, vector<32x128xf32>, vector<128x32xf32> -> vector<128x32xf32>
    %slice3A_657 = vector.extract_strided_slice %get3A_1 {offsets = [0, 27904], sizes = [32, 128], strides = [1, 1]} : vector<32x32768xf32> to vector<32x128xf32>
    %dot_general3A_658 = arith.constant dense<0.000000e+00> : vector<128x32xf32>
    %dot_general3A_659 = tpu.matmul %select_n3A, %slice3A_657, %dot_general3A_658 {dimension_numbers = #tpu.dot_dimension_numbers<[1], [1], [0], [0], [0, 0, 1, 0], [], []>, transpose_lhs_hint = false} : vector<128x128xf32>, vector<32x128xf32>, vector<128x32xf32> -> vector<128x32xf32>
    %slice3A_660 = vector.extract_strided_slice %get3A_1 {offsets = [0, 28032], sizes = [32, 128], strides = [1, 1]} : vector<32x32768xf32> to vector<32x128xf32>
    %dot_general3A_661 = arith.constant dense<0.000000e+00> : vector<128x32xf32>
    %dot_general3A_662 = tpu.matmul %select_n3A, %slice3A_660, %dot_general3A_661 {dimension_numbers = #tpu.dot_dimension_numbers<[1], [1], [0], [0], [0, 0, 1, 0], [], []>, transpose_lhs_hint = false} : vector<128x128xf32>, vector<32x128xf32>, vector<128x32xf32> -> vector<128x32xf32>
    %slice3A_663 = vector.extract_strided_slice %get3A_1 {offsets = [0, 28160], sizes = [32, 128], strides = [1, 1]} : vector<32x32768xf32> to vector<32x128xf32>
    %dot_general3A_664 = arith.constant dense<0.000000e+00> : vector<128x32xf32>
    %dot_general3A_665 = tpu.matmul %select_n3A, %slice3A_663, %dot_general3A_664 {dimension_numbers = #tpu.dot_dimension_numbers<[1], [1], [0], [0], [0, 0, 1, 0], [], []>, transpose_lhs_hint = false} : vector<128x128xf32>, vector<32x128xf32>, vector<128x32xf32> -> vector<128x32xf32>
    %slice3A_666 = vector.extract_strided_slice %get3A_1 {offsets = [0, 28288], sizes = [32, 128], strides = [1, 1]} : vector<32x32768xf32> to vector<32x128xf32>
    %dot_general3A_667 = arith.constant dense<0.000000e+00> : vector<128x32xf32>
    %dot_general3A_668 = tpu.matmul %select_n3A, %slice3A_666, %dot_general3A_667 {dimension_numbers = #tpu.dot_dimension_numbers<[1], [1], [0], [0], [0, 0, 1, 0], [], []>, transpose_lhs_hint = false} : vector<128x128xf32>, vector<32x128xf32>, vector<128x32xf32> -> vector<128x32xf32>
    %slice3A_669 = vector.extract_strided_slice %get3A_1 {offsets = [0, 28416], sizes = [32, 128], strides = [1, 1]} : vector<32x32768xf32> to vector<32x128xf32>
    %dot_general3A_670 = arith.constant dense<0.000000e+00> : vector<128x32xf32>
    %dot_general3A_671 = tpu.matmul %select_n3A, %slice3A_669, %dot_general3A_670 {dimension_numbers = #tpu.dot_dimension_numbers<[1], [1], [0], [0], [0, 0, 1, 0], [], []>, transpose_lhs_hint = false} : vector<128x128xf32>, vector<32x128xf32>, vector<128x32xf32> -> vector<128x32xf32>
    %slice3A_672 = vector.extract_strided_slice %get3A_1 {offsets = [0, 28544], sizes = [32, 128], strides = [1, 1]} : vector<32x32768xf32> to vector<32x128xf32>
    %dot_general3A_673 = arith.constant dense<0.000000e+00> : vector<128x32xf32>
    %dot_general3A_674 = tpu.matmul %select_n3A, %slice3A_672, %dot_general3A_673 {dimension_numbers = #tpu.dot_dimension_numbers<[1], [1], [0], [0], [0, 0, 1, 0], [], []>, transpose_lhs_hint = false} : vector<128x128xf32>, vector<32x128xf32>, vector<128x32xf32> -> vector<128x32xf32>
    %slice3A_675 = vector.extract_strided_slice %get3A_1 {offsets = [0, 28672], sizes = [32, 128], strides = [1, 1]} : vector<32x32768xf32> to vector<32x128xf32>
    %dot_general3A_676 = arith.constant dense<0.000000e+00> : vector<128x32xf32>
    %dot_general3A_677 = tpu.matmul %select_n3A, %slice3A_675, %dot_general3A_676 {dimension_numbers = #tpu.dot_dimension_numbers<[1], [1], [0], [0], [0, 0, 1, 0], [], []>, transpose_lhs_hint = false} : vector<128x128xf32>, vector<32x128xf32>, vector<128x32xf32> -> vector<128x32xf32>
    %slice3A_678 = vector.extract_strided_slice %get3A_1 {offsets = [0, 28800], sizes = [32, 128], strides = [1, 1]} : vector<32x32768xf32> to vector<32x128xf32>
    %dot_general3A_679 = arith.constant dense<0.000000e+00> : vector<128x32xf32>
    %dot_general3A_680 = tpu.matmul %select_n3A, %slice3A_678, %dot_general3A_679 {dimension_numbers = #tpu.dot_dimension_numbers<[1], [1], [0], [0], [0, 0, 1, 0], [], []>, transpose_lhs_hint = false} : vector<128x128xf32>, vector<32x128xf32>, vector<128x32xf32> -> vector<128x32xf32>
    %slice3A_681 = vector.extract_strided_slice %get3A_1 {offsets = [0, 28928], sizes = [32, 128], strides = [1, 1]} : vector<32x32768xf32> to vector<32x128xf32>
    %dot_general3A_682 = arith.constant dense<0.000000e+00> : vector<128x32xf32>
    %dot_general3A_683 = tpu.matmul %select_n3A, %slice3A_681, %dot_general3A_682 {dimension_numbers = #tpu.dot_dimension_numbers<[1], [1], [0], [0], [0, 0, 1, 0], [], []>, transpose_lhs_hint = false} : vector<128x128xf32>, vector<32x128xf32>, vector<128x32xf32> -> vector<128x32xf32>
    %slice3A_684 = vector.extract_strided_slice %get3A_1 {offsets = [0, 29056], sizes = [32, 128], strides = [1, 1]} : vector<32x32768xf32> to vector<32x128xf32>
    %dot_general3A_685 = arith.constant dense<0.000000e+00> : vector<128x32xf32>
    %dot_general3A_686 = tpu.matmul %select_n3A, %slice3A_684, %dot_general3A_685 {dimension_numbers = #tpu.dot_dimension_numbers<[1], [1], [0], [0], [0, 0, 1, 0], [], []>, transpose_lhs_hint = false} : vector<128x128xf32>, vector<32x128xf32>, vector<128x32xf32> -> vector<128x32xf32>
    %slice3A_687 = vector.extract_strided_slice %get3A_1 {offsets = [0, 29184], sizes = [32, 128], strides = [1, 1]} : vector<32x32768xf32> to vector<32x128xf32>
    %dot_general3A_688 = arith.constant dense<0.000000e+00> : vector<128x32xf32>
    %dot_general3A_689 = tpu.matmul %select_n3A, %slice3A_687, %dot_general3A_688 {dimension_numbers = #tpu.dot_dimension_numbers<[1], [1], [0], [0], [0, 0, 1, 0], [], []>, transpose_lhs_hint = false} : vector<128x128xf32>, vector<32x128xf32>, vector<128x32xf32> -> vector<128x32xf32>
    %slice3A_690 = vector.extract_strided_slice %get3A_1 {offsets = [0, 29312], sizes = [32, 128], strides = [1, 1]} : vector<32x32768xf32> to vector<32x128xf32>
    %dot_general3A_691 = arith.constant dense<0.000000e+00> : vector<128x32xf32>
    %dot_general3A_692 = tpu.matmul %select_n3A, %slice3A_690, %dot_general3A_691 {dimension_numbers = #tpu.dot_dimension_numbers<[1], [1], [0], [0], [0, 0, 1, 0], [], []>, transpose_lhs_hint = false} : vector<128x128xf32>, vector<32x128xf32>, vector<128x32xf32> -> vector<128x32xf32>
    %slice3A_693 = vector.extract_strided_slice %get3A_1 {offsets = [0, 29440], sizes = [32, 128], strides = [1, 1]} : vector<32x32768xf32> to vector<32x128xf32>
    %dot_general3A_694 = arith.constant dense<0.000000e+00> : vector<128x32xf32>
    %dot_general3A_695 = tpu.matmul %select_n3A, %slice3A_693, %dot_general3A_694 {dimension_numbers = #tpu.dot_dimension_numbers<[1], [1], [0], [0], [0, 0, 1, 0], [], []>, transpose_lhs_hint = false} : vector<128x128xf32>, vector<32x128xf32>, vector<128x32xf32> -> vector<128x32xf32>
    %slice3A_696 = vector.extract_strided_slice %get3A_1 {offsets = [0, 29568], sizes = [32, 128], strides = [1, 1]} : vector<32x32768xf32> to vector<32x128xf32>
    %dot_general3A_697 = arith.constant dense<0.000000e+00> : vector<128x32xf32>
    %dot_general3A_698 = tpu.matmul %select_n3A, %slice3A_696, %dot_general3A_697 {dimension_numbers = #tpu.dot_dimension_numbers<[1], [1], [0], [0], [0, 0, 1, 0], [], []>, transpose_lhs_hint = false} : vector<128x128xf32>, vector<32x128xf32>, vector<128x32xf32> -> vector<128x32xf32>
    %slice3A_699 = vector.extract_strided_slice %get3A_1 {offsets = [0, 29696], sizes = [32, 128], strides = [1, 1]} : vector<32x32768xf32> to vector<32x128xf32>
    %dot_general3A_700 = arith.constant dense<0.000000e+00> : vector<128x32xf32>
    %dot_general3A_701 = tpu.matmul %select_n3A, %slice3A_699, %dot_general3A_700 {dimension_numbers = #tpu.dot_dimension_numbers<[1], [1], [0], [0], [0, 0, 1, 0], [], []>, transpose_lhs_hint = false} : vector<128x128xf32>, vector<32x128xf32>, vector<128x32xf32> -> vector<128x32xf32>
    %slice3A_702 = vector.extract_strided_slice %get3A_1 {offsets = [0, 29824], sizes = [32, 128], strides = [1, 1]} : vector<32x32768xf32> to vector<32x128xf32>
    %dot_general3A_703 = arith.constant dense<0.000000e+00> : vector<128x32xf32>
    %dot_general3A_704 = tpu.matmul %select_n3A, %slice3A_702, %dot_general3A_703 {dimension_numbers = #tpu.dot_dimension_numbers<[1], [1], [0], [0], [0, 0, 1, 0], [], []>, transpose_lhs_hint = false} : vector<128x128xf32>, vector<32x128xf32>, vector<128x32xf32> -> vector<128x32xf32>
    %slice3A_705 = vector.extract_strided_slice %get3A_1 {offsets = [0, 29952], sizes = [32, 128], strides = [1, 1]} : vector<32x32768xf32> to vector<32x128xf32>
    %dot_general3A_706 = arith.constant dense<0.000000e+00> : vector<128x32xf32>
    %dot_general3A_707 = tpu.matmul %select_n3A, %slice3A_705, %dot_general3A_706 {dimension_numbers = #tpu.dot_dimension_numbers<[1], [1], [0], [0], [0, 0, 1, 0], [], []>, transpose_lhs_hint = false} : vector<128x128xf32>, vector<32x128xf32>, vector<128x32xf32> -> vector<128x32xf32>
    %slice3A_708 = vector.extract_strided_slice %get3A_1 {offsets = [0, 30080], sizes = [32, 128], strides = [1, 1]} : vector<32x32768xf32> to vector<32x128xf32>
    %dot_general3A_709 = arith.constant dense<0.000000e+00> : vector<128x32xf32>
    %dot_general3A_710 = tpu.matmul %select_n3A, %slice3A_708, %dot_general3A_709 {dimension_numbers = #tpu.dot_dimension_numbers<[1], [1], [0], [0], [0, 0, 1, 0], [], []>, transpose_lhs_hint = false} : vector<128x128xf32>, vector<32x128xf32>, vector<128x32xf32> -> vector<128x32xf32>
    %slice3A_711 = vector.extract_strided_slice %get3A_1 {offsets = [0, 30208], sizes = [32, 128], strides = [1, 1]} : vector<32x32768xf32> to vector<32x128xf32>
    %dot_general3A_712 = arith.constant dense<0.000000e+00> : vector<128x32xf32>
    %dot_general3A_713 = tpu.matmul %select_n3A, %slice3A_711, %dot_general3A_712 {dimension_numbers = #tpu.dot_dimension_numbers<[1], [1], [0], [0], [0, 0, 1, 0], [], []>, transpose_lhs_hint = false} : vector<128x128xf32>, vector<32x128xf32>, vector<128x32xf32> -> vector<128x32xf32>
    %slice3A_714 = vector.extract_strided_slice %get3A_1 {offsets = [0, 30336], sizes = [32, 128], strides = [1, 1]} : vector<32x32768xf32> to vector<32x128xf32>
    %dot_general3A_715 = arith.constant dense<0.000000e+00> : vector<128x32xf32>
    %dot_general3A_716 = tpu.matmul %select_n3A, %slice3A_714, %dot_general3A_715 {dimension_numbers = #tpu.dot_dimension_numbers<[1], [1], [0], [0], [0, 0, 1, 0], [], []>, transpose_lhs_hint = false} : vector<128x128xf32>, vector<32x128xf32>, vector<128x32xf32> -> vector<128x32xf32>
    %slice3A_717 = vector.extract_strided_slice %get3A_1 {offsets = [0, 30464], sizes = [32, 128], strides = [1, 1]} : vector<32x32768xf32> to vector<32x128xf32>
    %dot_general3A_718 = arith.constant dense<0.000000e+00> : vector<128x32xf32>
    %dot_general3A_719 = tpu.matmul %select_n3A, %slice3A_717, %dot_general3A_718 {dimension_numbers = #tpu.dot_dimension_numbers<[1], [1], [0], [0], [0, 0, 1, 0], [], []>, transpose_lhs_hint = false} : vector<128x128xf32>, vector<32x128xf32>, vector<128x32xf32> -> vector<128x32xf32>
    %slice3A_720 = vector.extract_strided_slice %get3A_1 {offsets = [0, 30592], sizes = [32, 128], strides = [1, 1]} : vector<32x32768xf32> to vector<32x128xf32>
    %dot_general3A_721 = arith.constant dense<0.000000e+00> : vector<128x32xf32>
    %dot_general3A_722 = tpu.matmul %select_n3A, %slice3A_720, %dot_general3A_721 {dimension_numbers = #tpu.dot_dimension_numbers<[1], [1], [0], [0], [0, 0, 1, 0], [], []>, transpose_lhs_hint = false} : vector<128x128xf32>, vector<32x128xf32>, vector<128x32xf32> -> vector<128x32xf32>
    %slice3A_723 = vector.extract_strided_slice %get3A_1 {offsets = [0, 30720], sizes = [32, 128], strides = [1, 1]} : vector<32x32768xf32> to vector<32x128xf32>
    %dot_general3A_724 = arith.constant dense<0.000000e+00> : vector<128x32xf32>
    %dot_general3A_725 = tpu.matmul %select_n3A, %slice3A_723, %dot_general3A_724 {dimension_numbers = #tpu.dot_dimension_numbers<[1], [1], [0], [0], [0, 0, 1, 0], [], []>, transpose_lhs_hint = false} : vector<128x128xf32>, vector<32x128xf32>, vector<128x32xf32> -> vector<128x32xf32>
    %slice3A_726 = vector.extract_strided_slice %get3A_1 {offsets = [0, 30848], sizes = [32, 128], strides = [1, 1]} : vector<32x32768xf32> to vector<32x128xf32>
    %dot_general3A_727 = arith.constant dense<0.000000e+00> : vector<128x32xf32>
    %dot_general3A_728 = tpu.matmul %select_n3A, %slice3A_726, %dot_general3A_727 {dimension_numbers = #tpu.dot_dimension_numbers<[1], [1], [0], [0], [0, 0, 1, 0], [], []>, transpose_lhs_hint = false} : vector<128x128xf32>, vector<32x128xf32>, vector<128x32xf32> -> vector<128x32xf32>
    %slice3A_729 = vector.extract_strided_slice %get3A_1 {offsets = [0, 30976], sizes = [32, 128], strides = [1, 1]} : vector<32x32768xf32> to vector<32x128xf32>
    %dot_general3A_730 = arith.constant dense<0.000000e+00> : vector<128x32xf32>
    %dot_general3A_731 = tpu.matmul %select_n3A, %slice3A_729, %dot_general3A_730 {dimension_numbers = #tpu.dot_dimension_numbers<[1], [1], [0], [0], [0, 0, 1, 0], [], []>, transpose_lhs_hint = false} : vector<128x128xf32>, vector<32x128xf32>, vector<128x32xf32> -> vector<128x32xf32>
    %slice3A_732 = vector.extract_strided_slice %get3A_1 {offsets = [0, 31104], sizes = [32, 128], strides = [1, 1]} : vector<32x32768xf32> to vector<32x128xf32>
    %dot_general3A_733 = arith.constant dense<0.000000e+00> : vector<128x32xf32>
    %dot_general3A_734 = tpu.matmul %select_n3A, %slice3A_732, %dot_general3A_733 {dimension_numbers = #tpu.dot_dimension_numbers<[1], [1], [0], [0], [0, 0, 1, 0], [], []>, transpose_lhs_hint = false} : vector<128x128xf32>, vector<32x128xf32>, vector<128x32xf32> -> vector<128x32xf32>
    %slice3A_735 = vector.extract_strided_slice %get3A_1 {offsets = [0, 31232], sizes = [32, 128], strides = [1, 1]} : vector<32x32768xf32> to vector<32x128xf32>
    %dot_general3A_736 = arith.constant dense<0.000000e+00> : vector<128x32xf32>
    %dot_general3A_737 = tpu.matmul %select_n3A, %slice3A_735, %dot_general3A_736 {dimension_numbers = #tpu.dot_dimension_numbers<[1], [1], [0], [0], [0, 0, 1, 0], [], []>, transpose_lhs_hint = false} : vector<128x128xf32>, vector<32x128xf32>, vector<128x32xf32> -> vector<128x32xf32>
    %slice3A_738 = vector.extract_strided_slice %get3A_1 {offsets = [0, 31360], sizes = [32, 128], strides = [1, 1]} : vector<32x32768xf32> to vector<32x128xf32>
    %dot_general3A_739 = arith.constant dense<0.000000e+00> : vector<128x32xf32>
    %dot_general3A_740 = tpu.matmul %select_n3A, %slice3A_738, %dot_general3A_739 {dimension_numbers = #tpu.dot_dimension_numbers<[1], [1], [0], [0], [0, 0, 1, 0], [], []>, transpose_lhs_hint = false} : vector<128x128xf32>, vector<32x128xf32>, vector<128x32xf32> -> vector<128x32xf32>
    %slice3A_741 = vector.extract_strided_slice %get3A_1 {offsets = [0, 31488], sizes = [32, 128], strides = [1, 1]} : vector<32x32768xf32> to vector<32x128xf32>
    %dot_general3A_742 = arith.constant dense<0.000000e+00> : vector<128x32xf32>
    %dot_general3A_743 = tpu.matmul %select_n3A, %slice3A_741, %dot_general3A_742 {dimension_numbers = #tpu.dot_dimension_numbers<[1], [1], [0], [0], [0, 0, 1, 0], [], []>, transpose_lhs_hint = false} : vector<128x128xf32>, vector<32x128xf32>, vector<128x32xf32> -> vector<128x32xf32>
    %slice3A_744 = vector.extract_strided_slice %get3A_1 {offsets = [0, 31616], sizes = [32, 128], strides = [1, 1]} : vector<32x32768xf32> to vector<32x128xf32>
    %dot_general3A_745 = arith.constant dense<0.000000e+00> : vector<128x32xf32>
    %dot_general3A_746 = tpu.matmul %select_n3A, %slice3A_744, %dot_general3A_745 {dimension_numbers = #tpu.dot_dimension_numbers<[1], [1], [0], [0], [0, 0, 1, 0], [], []>, transpose_lhs_hint = false} : vector<128x128xf32>, vector<32x128xf32>, vector<128x32xf32> -> vector<128x32xf32>
    %slice3A_747 = vector.extract_strided_slice %get3A_1 {offsets = [0, 31744], sizes = [32, 128], strides = [1, 1]} : vector<32x32768xf32> to vector<32x128xf32>
    %dot_general3A_748 = arith.constant dense<0.000000e+00> : vector<128x32xf32>
    %dot_general3A_749 = tpu.matmul %select_n3A, %slice3A_747, %dot_general3A_748 {dimension_numbers = #tpu.dot_dimension_numbers<[1], [1], [0], [0], [0, 0, 1, 0], [], []>, transpose_lhs_hint = false} : vector<128x128xf32>, vector<32x128xf32>, vector<128x32xf32> -> vector<128x32xf32>
    %slice3A_750 = vector.extract_strided_slice %get3A_1 {offsets = [0, 31872], sizes = [32, 128], strides = [1, 1]} : vector<32x32768xf32> to vector<32x128xf32>
    %dot_general3A_751 = arith.constant dense<0.000000e+00> : vector<128x32xf32>
    %dot_general3A_752 = tpu.matmul %select_n3A, %slice3A_750, %dot_general3A_751 {dimension_numbers = #tpu.dot_dimension_numbers<[1], [1], [0], [0], [0, 0, 1, 0], [], []>, transpose_lhs_hint = false} : vector<128x128xf32>, vector<32x128xf32>, vector<128x32xf32> -> vector<128x32xf32>
    %slice3A_753 = vector.extract_strided_slice %get3A_1 {offsets = [0, 32000], sizes = [32, 128], strides = [1, 1]} : vector<32x32768xf32> to vector<32x128xf32>
    %dot_general3A_754 = arith.constant dense<0.000000e+00> : vector<128x32xf32>
    %dot_general3A_755 = tpu.matmul %select_n3A, %slice3A_753, %dot_general3A_754 {dimension_numbers = #tpu.dot_dimension_numbers<[1], [1], [0], [0], [0, 0, 1, 0], [], []>, transpose_lhs_hint = false} : vector<128x128xf32>, vector<32x128xf32>, vector<128x32xf32> -> vector<128x32xf32>
    %slice3A_756 = vector.extract_strided_slice %get3A_1 {offsets = [0, 32128], sizes = [32, 128], strides = [1, 1]} : vector<32x32768xf32> to vector<32x128xf32>
    %dot_general3A_757 = arith.constant dense<0.000000e+00> : vector<128x32xf32>
    %dot_general3A_758 = tpu.matmul %select_n3A, %slice3A_756, %dot_general3A_757 {dimension_numbers = #tpu.dot_dimension_numbers<[1], [1], [0], [0], [0, 0, 1, 0], [], []>, transpose_lhs_hint = false} : vector<128x128xf32>, vector<32x128xf32>, vector<128x32xf32> -> vector<128x32xf32>
    %slice3A_759 = vector.extract_strided_slice %get3A_1 {offsets = [0, 32256], sizes = [32, 128], strides = [1, 1]} : vector<32x32768xf32> to vector<32x128xf32>
    %dot_general3A_760 = arith.constant dense<0.000000e+00> : vector<128x32xf32>
    %dot_general3A_761 = tpu.matmul %select_n3A, %slice3A_759, %dot_general3A_760 {dimension_numbers = #tpu.dot_dimension_numbers<[1], [1], [0], [0], [0, 0, 1, 0], [], []>, transpose_lhs_hint = false} : vector<128x128xf32>, vector<32x128xf32>, vector<128x32xf32> -> vector<128x32xf32>
    %slice3A_762 = vector.extract_strided_slice %get3A_1 {offsets = [0, 32384], sizes = [32, 128], strides = [1, 1]} : vector<32x32768xf32> to vector<32x128xf32>
    %dot_general3A_763 = arith.constant dense<0.000000e+00> : vector<128x32xf32>
    %dot_general3A_764 = tpu.matmul %select_n3A, %slice3A_762, %dot_general3A_763 {dimension_numbers = #tpu.dot_dimension_numbers<[1], [1], [0], [0], [0, 0, 1, 0], [], []>, transpose_lhs_hint = false} : vector<128x128xf32>, vector<32x128xf32>, vector<128x32xf32> -> vector<128x32xf32>
    %slice3A_765 = vector.extract_strided_slice %get3A_1 {offsets = [0, 32512], sizes = [32, 128], strides = [1, 1]} : vector<32x32768xf32> to vector<32x128xf32>
    %dot_general3A_766 = arith.constant dense<0.000000e+00> : vector<128x32xf32>
    %dot_general3A_767 = tpu.matmul %select_n3A, %slice3A_765, %dot_general3A_766 {dimension_numbers = #tpu.dot_dimension_numbers<[1], [1], [0], [0], [0, 0, 1, 0], [], []>, transpose_lhs_hint = false} : vector<128x128xf32>, vector<32x128xf32>, vector<128x32xf32> -> vector<128x32xf32>
    %slice3A_768 = vector.extract_strided_slice %get3A_1 {offsets = [0, 32640], sizes = [32, 128], strides = [1, 1]} : vector<32x32768xf32> to vector<32x128xf32>
    %dot_general3A_769 = arith.constant dense<0.000000e+00> : vector<128x32xf32>
    %dot_general3A_770 = tpu.matmul %select_n3A, %slice3A_768, %dot_general3A_769 {dimension_numbers = #tpu.dot_dimension_numbers<[1], [1], [0], [0], [0, 0, 1, 0], [], []>, transpose_lhs_hint = false} : vector<128x128xf32>, vector<32x128xf32>, vector<128x32xf32> -> vector<128x32xf32>
    %concatenate3A = tpu.concatenate %dot_general3A_5, %dot_general3A_8, %dot_general3A_11, %dot_general3A_14, %dot_general3A_17, %dot_general3A_20, %dot_general3A_23, %dot_general3A_26, %dot_general3A_29, %dot_general3A_32, %dot_general3A_35, %dot_general3A_38, %dot_general3A_41, %dot_general3A_44, %dot_general3A_47, %dot_general3A_50, %dot_general3A_53, %dot_general3A_56, %dot_general3A_59, %dot_general3A_62, %dot_general3A_65, %dot_general3A_68, %dot_general3A_71, %dot_general3A_74, %dot_general3A_77, %dot_general3A_80, %dot_general3A_83, %dot_general3A_86, %dot_general3A_89, %dot_general3A_92, %dot_general3A_95, %dot_general3A_98, %dot_general3A_101, %dot_general3A_104, %dot_general3A_107, %dot_general3A_110, %dot_general3A_113, %dot_general3A_116, %dot_general3A_119, %dot_general3A_122, %dot_general3A_125, %dot_general3A_128, %dot_general3A_131, %dot_general3A_134, %dot_general3A_137, %dot_general3A_140, %dot_general3A_143, %dot_general3A_146, %dot_general3A_149, %dot_general3A_152, %dot_general3A_155, %dot_general3A_158, %dot_general3A_161, %dot_general3A_164, %dot_general3A_167, %dot_general3A_170, %dot_general3A_173, %dot_general3A_176, %dot_general3A_179, %dot_general3A_182, %dot_general3A_185, %dot_general3A_188, %dot_general3A_191, %dot_general3A_194 in 0 : vector<128x32xf32>, vector<128x32xf32>, vector<128x32xf32>, vector<128x32xf32>, vector<128x32xf32>, vector<128x32xf32>, vector<128x32xf32>, vector<128x32xf32>, vector<128x32xf32>, vector<128x32xf32>, vector<128x32xf32>, vector<128x32xf32>, vector<128x32xf32>, vector<128x32xf32>, vector<128x32xf32>, vector<128x32xf32>, vector<128x32xf32>, vector<128x32xf32>, vector<128x32xf32>, vector<128x32xf32>, vector<128x32xf32>, vector<128x32xf32>, vector<128x32xf32>, vector<128x32xf32>, vector<128x32xf32>, vector<128x32xf32>, vector<128x32xf32>, vector<128x32xf32>, vector<128x32xf32>, vector<128x32xf32>, vector<128x32xf32>, vector<128x32xf32>, vector<128x32xf32>, vector<128x32xf32>, vector<128x32xf32>, vector<128x32xf32>, vector<128x32xf32>, vector<128x32xf32>, vector<128x32xf32>, vector<128x32xf32>, vector<128x32xf32>, vector<128x32xf32>, vector<128x32xf32>, vector<128x32xf32>, vector<128x32xf32>, vector<128x32xf32>, vector<128x32xf32>, vector<128x32xf32>, vector<128x32xf32>, vector<128x32xf32>, vector<128x32xf32>, vector<128x32xf32>, vector<128x32xf32>, vector<128x32xf32>, vector<128x32xf32>, vector<128x32xf32>, vector<128x32xf32>, vector<128x32xf32>, vector<128x32xf32>, vector<128x32xf32>, vector<128x32xf32>, vector<128x32xf32>, vector<128x32xf32>, vector<128x32xf32> -> vector<8192x32xf32>
    %concatenate3A_771 = tpu.concatenate %dot_general3A_197, %dot_general3A_200, %dot_general3A_203, %dot_general3A_206, %dot_general3A_209, %dot_general3A_212, %dot_general3A_215, %dot_general3A_218, %dot_general3A_221, %dot_general3A_224, %dot_general3A_227, %dot_general3A_230, %dot_general3A_233, %dot_general3A_236, %dot_general3A_239, %dot_general3A_242, %dot_general3A_245, %dot_general3A_248, %dot_general3A_251, %dot_general3A_254, %dot_general3A_257, %dot_general3A_260, %dot_general3A_263, %dot_general3A_266, %dot_general3A_269, %dot_general3A_272, %dot_general3A_275, %dot_general3A_278, %dot_general3A_281, %dot_general3A_284, %dot_general3A_287, %dot_general3A_290, %dot_general3A_293, %dot_general3A_296, %dot_general3A_299, %dot_general3A_302, %dot_general3A_305, %dot_general3A_308, %dot_general3A_311, %dot_general3A_314, %dot_general3A_317, %dot_general3A_320, %dot_general3A_323, %dot_general3A_326, %dot_general3A_329, %dot_general3A_332, %dot_general3A_335, %dot_general3A_338, %dot_general3A_341, %dot_general3A_344, %dot_general3A_347, %dot_general3A_350, %dot_general3A_353, %dot_general3A_356, %dot_general3A_359, %dot_general3A_362, %dot_general3A_365, %dot_general3A_368, %dot_general3A_371, %dot_general3A_374, %dot_general3A_377, %dot_general3A_380, %dot_general3A_383, %dot_general3A_386 in 0 : vector<128x32xf32>, vector<128x32xf32>, vector<128x32xf32>, vector<128x32xf32>, vector<128x32xf32>, vector<128x32xf32>, vector<128x32xf32>, vector<128x32xf32>, vector<128x32xf32>, vector<128x32xf32>, vector<128x32xf32>, vector<128x32xf32>, vector<128x32xf32>, vector<128x32xf32>, vector<128x32xf32>, vector<128x32xf32>, vector<128x32xf32>, vector<128x32xf32>, vector<128x32xf32>, vector<128x32xf32>, vector<128x32xf32>, vector<128x32xf32>, vector<128x32xf32>, vector<128x32xf32>, vector<128x32xf32>, vector<128x32xf32>, vector<128x32xf32>, vector<128x32xf32>, vector<128x32xf32>, vector<128x32xf32>, vector<128x32xf32>, vector<128x32xf32>, vector<128x32xf32>, vector<128x32xf32>, vector<128x32xf32>, vector<128x32xf32>, vector<128x32xf32>, vector<128x32xf32>, vector<128x32xf32>, vector<128x32xf32>, vector<128x32xf32>, vector<128x32xf32>, vector<128x32xf32>, vector<128x32xf32>, vector<128x32xf32>, vector<128x32xf32>, vector<128x32xf32>, vector<128x32xf32>, vector<128x32xf32>, vector<128x32xf32>, vector<128x32xf32>, vector<128x32xf32>, vector<128x32xf32>, vector<128x32xf32>, vector<128x32xf32>, vector<128x32xf32>, vector<128x32xf32>, vector<128x32xf32>, vector<128x32xf32>, vector<128x32xf32>, vector<128x32xf32>, vector<128x32xf32>, vector<128x32xf32>, vector<128x32xf32> -> vector<8192x32xf32>
    %concatenate3A_772 = tpu.concatenate %dot_general3A_389, %dot_general3A_392, %dot_general3A_395, %dot_general3A_398, %dot_general3A_401, %dot_general3A_404, %dot_general3A_407, %dot_general3A_410, %dot_general3A_413, %dot_general3A_416, %dot_general3A_419, %dot_general3A_422, %dot_general3A_425, %dot_general3A_428, %dot_general3A_431, %dot_general3A_434, %dot_general3A_437, %dot_general3A_440, %dot_general3A_443, %dot_general3A_446, %dot_general3A_449, %dot_general3A_452, %dot_general3A_455, %dot_general3A_458, %dot_general3A_461, %dot_general3A_464, %dot_general3A_467, %dot_general3A_470, %dot_general3A_473, %dot_general3A_476, %dot_general3A_479, %dot_general3A_482, %dot_general3A_485, %dot_general3A_488, %dot_general3A_491, %dot_general3A_494, %dot_general3A_497, %dot_general3A_500, %dot_general3A_503, %dot_general3A_506, %dot_general3A_509, %dot_general3A_512, %dot_general3A_515, %dot_general3A_518, %dot_general3A_521, %dot_general3A_524, %dot_general3A_527, %dot_general3A_530, %dot_general3A_533, %dot_general3A_536, %dot_general3A_539, %dot_general3A_542, %dot_general3A_545, %dot_general3A_548, %dot_general3A_551, %dot_general3A_554, %dot_general3A_557, %dot_general3A_560, %dot_general3A_563, %dot_general3A_566, %dot_general3A_569, %dot_general3A_572, %dot_general3A_575, %dot_general3A_578 in 0 : vector<128x32xf32>, vector<128x32xf32>, vector<128x32xf32>, vector<128x32xf32>, vector<128x32xf32>, vector<128x32xf32>, vector<128x32xf32>, vector<128x32xf32>, vector<128x32xf32>, vector<128x32xf32>, vector<128x32xf32>, vector<128x32xf32>, vector<128x32xf32>, vector<128x32xf32>, vector<128x32xf32>, vector<128x32xf32>, vector<128x32xf32>, vector<128x32xf32>, vector<128x32xf32>, vector<128x32xf32>, vector<128x32xf32>, vector<128x32xf32>, vector<128x32xf32>, vector<128x32xf32>, vector<128x32xf32>, vector<128x32xf32>, vector<128x32xf32>, vector<128x32xf32>, vector<128x32xf32>, vector<128x32xf32>, vector<128x32xf32>, vector<128x32xf32>, vector<128x32xf32>, vector<128x32xf32>, vector<128x32xf32>, vector<128x32xf32>, vector<128x32xf32>, vector<128x32xf32>, vector<128x32xf32>, vector<128x32xf32>, vector<128x32xf32>, vector<128x32xf32>, vector<128x32xf32>, vector<128x32xf32>, vector<128x32xf32>, vector<128x32xf32>, vector<128x32xf32>, vector<128x32xf32>, vector<128x32xf32>, vector<128x32xf32>, vector<128x32xf32>, vector<128x32xf32>, vector<128x32xf32>, vector<128x32xf32>, vector<128x32xf32>, vector<128x32xf32>, vector<128x32xf32>, vector<128x32xf32>, vector<128x32xf32>, vector<128x32xf32>, vector<128x32xf32>, vector<128x32xf32>, vector<128x32xf32>, vector<128x32xf32> -> vector<8192x32xf32>
    %concatenate3A_773 = tpu.concatenate %dot_general3A_581, %dot_general3A_584, %dot_general3A_587, %dot_general3A_590, %dot_general3A_593, %dot_general3A_596, %dot_general3A_599, %dot_general3A_602, %dot_general3A_605, %dot_general3A_608, %dot_general3A_611, %dot_general3A_614, %dot_general3A_617, %dot_general3A_620, %dot_general3A_623, %dot_general3A_626, %dot_general3A_629, %dot_general3A_632, %dot_general3A_635, %dot_general3A_638, %dot_general3A_641, %dot_general3A_644, %dot_general3A_647, %dot_general3A_650, %dot_general3A_653, %dot_general3A_656, %dot_general3A_659, %dot_general3A_662, %dot_general3A_665, %dot_general3A_668, %dot_general3A_671, %dot_general3A_674, %dot_general3A_677, %dot_general3A_680, %dot_general3A_683, %dot_general3A_686, %dot_general3A_689, %dot_general3A_692, %dot_general3A_695, %dot_general3A_698, %dot_general3A_701, %dot_general3A_704, %dot_general3A_707, %dot_general3A_710, %dot_general3A_713, %dot_general3A_716, %dot_general3A_719, %dot_general3A_722, %dot_general3A_725, %dot_general3A_728, %dot_general3A_731, %dot_general3A_734, %dot_general3A_737, %dot_general3A_740, %dot_general3A_743, %dot_general3A_746, %dot_general3A_749, %dot_general3A_752, %dot_general3A_755, %dot_general3A_758, %dot_general3A_761, %dot_general3A_764, %dot_general3A_767, %dot_general3A_770 in 0 : vector<128x32xf32>, vector<128x32xf32>, vector<128x32xf32>, vector<128x32xf32>, vector<128x32xf32>, vector<128x32xf32>, vector<128x32xf32>, vector<128x32xf32>, vector<128x32xf32>, vector<128x32xf32>, vector<128x32xf32>, vector<128x32xf32>, vector<128x32xf32>, vector<128x32xf32>, vector<128x32xf32>, vector<128x32xf32>, vector<128x32xf32>, vector<128x32xf32>, vector<128x32xf32>, vector<128x32xf32>, vector<128x32xf32>, vector<128x32xf32>, vector<128x32xf32>, vector<128x32xf32>, vector<128x32xf32>, vector<128x32xf32>, vector<128x32xf32>, vector<128x32xf32>, vector<128x32xf32>, vector<128x32xf32>, vector<128x32xf32>, vector<128x32xf32>, vector<128x32xf32>, vector<128x32xf32>, vector<128x32xf32>, vector<128x32xf32>, vector<128x32xf32>, vector<128x32xf32>, vector<128x32xf32>, vector<128x32xf32>, vector<128x32xf32>, vector<128x32xf32>, vector<128x32xf32>, vector<128x32xf32>, vector<128x32xf32>, vector<128x32xf32>, vector<128x32xf32>, vector<128x32xf32>, vector<128x32xf32>, vector<128x32xf32>, vector<128x32xf32>, vector<128x32xf32>, vector<128x32xf32>, vector<128x32xf32>, vector<128x32xf32>, vector<128x32xf32>, vector<128x32xf32>, vector<128x32xf32>, vector<128x32xf32>, vector<128x32xf32>, vector<128x32xf32>, vector<128x32xf32>, vector<128x32xf32>, vector<128x32xf32> -> vector<8192x32xf32>
    %concatenate3A_774 = tpu.concatenate %concatenate3A, %concatenate3A_771, %concatenate3A_772, %concatenate3A_773 in 1 : vector<8192x32xf32>, vector<8192x32xf32>, vector<8192x32xf32>, vector<8192x32xf32> -> vector<8192x128xf32>
    %swap3A = arith.constant 0 : index
    %swap3A_775 = arith.constant 0 : index
    %swap3A_776 = vector.load %arg2[%swap3A, %swap3A_775] : memref<8192x128xf32, #tpu.memory_space<vmem>>, vector<8192x128xf32>
    tpu.vector_store %arg2[%swap3A, %swap3A_775], %concatenate3A_774 {strides = array<i32>} : memref<8192x128xf32, #tpu.memory_space<vmem>>, vector<8192x128xf32>,
    return
  }
  func.func @transform_0(%arg0: i32) -> (i32, i32) {
    %c0_i32 = arith.constant 0 : i32
    %c0_i32_0 = arith.constant 0 : i32
    return %c0_i32, %arg0 : i32, i32
  }
  func.func @transform_1(%arg0: i32) -> (i32, i32) {
    %c0_i32 = arith.constant 0 : i32
    %c0_i32_0 = arith.constant 0 : i32
    return %arg0, %c0_i32 : i32, i32
  }
}

module attributes {stable_mosaic.version = 14 : i64} {
  func.func @_mlp_body(%arg0: i32, %arg1: memref<3200x128xf32, #tpu.memory_space<vmem>>, %arg2: memref<128x32xf32, #tpu.memory_space<vmem>>, %arg3: memref<1x128xf32, #tpu.memory_space<vmem>>, %arg4: memref<128x128xf32, #tpu.memory_space<vmem>>, %arg5: memref<1x128xf32, #tpu.memory_space<vmem>>, %arg6: memref<3200x512xf32, #tpu.memory_space<vmem>>) attributes {dimension_semantics = [#tpu.dimension_semantics<arbitrary>], iteration_bounds = array<i64: 16>, scalar_prefetch = 0 : i64, scratch_operands = 0 : i64, tpu.core_type = #tpu.core_type<tc>, window_params = [{transform_indices = @transform_0, window_bounds = array<i64: 3200, 128>}, {pipeline_mode = #tpu.pipeline_mode<synchronous>, transform_indices = @transform_1, window_bounds = array<i64: 128, 32>}, {pipeline_mode = #tpu.pipeline_mode<synchronous>, transform_indices = @transform_2, window_bounds = array<i64: 1, 128>}, {pipeline_mode = #tpu.pipeline_mode<synchronous>, transform_indices = @transform_3, window_bounds = array<i64: 128, 128>}, {pipeline_mode = #tpu.pipeline_mode<synchronous>, transform_indices = @transform_4, window_bounds = array<i64: 1, 128>}, {transform_indices = @transform_5, window_bounds = array<i64: 3200, 512>}]} {
    %get3A = arith.constant 0 : index
    %get3A_0 = arith.constant 0 : index
    %get3A_1 = vector.load %arg1[%get3A, %get3A_0] : memref<3200x128xf32, #tpu.memory_space<vmem>>, vector<3200x128xf32>
    %slice3A = vector.extract_strided_slice %get3A_1 {offsets = [0, 0], sizes = [3200, 32], strides = [1, 1]} : vector<3200x128xf32> to vector<3200x32xf32>
    %slice3A_2 = vector.extract_strided_slice %get3A_1 {offsets = [0, 32], sizes = [3200, 32], strides = [1, 1]} : vector<3200x128xf32> to vector<3200x32xf32>
    %slice3A_3 = vector.extract_strided_slice %get3A_1 {offsets = [0, 64], sizes = [3200, 32], strides = [1, 1]} : vector<3200x128xf32> to vector<3200x32xf32>
    %slice3A_4 = vector.extract_strided_slice %get3A_1 {offsets = [0, 96], sizes = [3200, 32], strides = [1, 1]} : vector<3200x128xf32> to vector<3200x32xf32>
    %concatenate3A = tpu.concatenate %slice3A, %slice3A_2, %slice3A_3, %slice3A_4 in 0 : vector<3200x32xf32>, vector<3200x32xf32>, vector<3200x32xf32>, vector<3200x32xf32> -> vector<12800x32xf32>
    %get3A_5 = arith.constant 0 : index
    %get3A_6 = arith.constant 0 : index
    %get3A_7 = vector.load %arg2[%get3A_5, %get3A_6] : memref<128x32xf32, #tpu.memory_space<vmem>>, vector<128x32xf32>
    %dot_general3A = arith.constant dense<0.000000e+00> : vector<12800x128xf32>
    %dot_general3A_8 = tpu.matmul %concatenate3A, %get3A_7, %dot_general3A {dimension_numbers = #tpu.dot_dimension_numbers<[1], [1], [0], [0], [0, 0, 1, 0], [], []>, transpose_lhs_hint = false} : vector<12800x32xf32>, vector<128x32xf32>, vector<12800x128xf32> -> vector<12800x128xf32>
    %get3A_9 = arith.constant 0 : index
    %get3A_10 = arith.constant 0 : index
    %get3A_11 = vector.load %arg3[%get3A_9, %get3A_10] : memref<1x128xf32, #tpu.memory_space<vmem>>, vector<1x128xf32>
    %add3A = vector.broadcast %get3A_11 : vector<1x128xf32> to vector<12800x128xf32>
    %add3A_12 = arith.addf %dot_general3A_8, %add3A : vector<12800x128xf32>
    %mul3A = arith.constant 5.000000e-01 : f32
    %mul3A_13 = vector.broadcast %mul3A : f32 to vector<12800x128xf32>
    %mul3A_14 = arith.mulf %add3A_12, %mul3A_13 : vector<12800x128xf32>
    %mul3A_15 = arith.constant 0.707106769 : f32
    %mul3A_16 = vector.broadcast %mul3A_15 : f32 to vector<12800x128xf32>
    %mul3A_17 = arith.mulf %add3A_12, %mul3A_16 : vector<12800x128xf32>
    %erf3A = math.erf %mul3A_17 : vector<12800x128xf32>
    %add3A_18 = arith.constant 1.000000e+00 : f32
    %add3A_19 = vector.broadcast %add3A_18 : f32 to vector<12800x128xf32>
    %add3A_20 = arith.addf %add3A_19, %erf3A : vector<12800x128xf32>
    %mul3A_21 = arith.mulf %mul3A_14, %add3A_20 : vector<12800x128xf32>
    %get3A_22 = arith.constant 0 : index
    %get3A_23 = arith.constant 0 : index
    %get3A_24 = vector.load %arg4[%get3A_22, %get3A_23] : memref<128x128xf32, #tpu.memory_space<vmem>>, vector<128x128xf32>
    %dot_general3A_25 = arith.constant dense<0.000000e+00> : vector<12800x128xf32>
    %dot_general3A_26 = tpu.matmul %mul3A_21, %get3A_24, %dot_general3A_25 {dimension_numbers = #tpu.dot_dimension_numbers<[1], [1], [0], [0], [0, 0, 1, 0], [], []>, transpose_lhs_hint = false} : vector<12800x128xf32>, vector<128x128xf32>, vector<12800x128xf32> -> vector<12800x128xf32>
    %get3A_27 = arith.constant 0 : index
    %get3A_28 = arith.constant 0 : index
    %get3A_29 = vector.load %arg5[%get3A_27, %get3A_28] : memref<1x128xf32, #tpu.memory_space<vmem>>, vector<1x128xf32>
    %add3A_30 = vector.broadcast %get3A_29 : vector<1x128xf32> to vector<12800x128xf32>
    %add3A_31 = arith.addf %dot_general3A_26, %add3A_30 : vector<12800x128xf32>
    %slice3A_32 = vector.extract_strided_slice %add3A_31 {offsets = [0, 0], sizes = [3200, 128], strides = [1, 1]} : vector<12800x128xf32> to vector<3200x128xf32>
    %slice3A_33 = vector.extract_strided_slice %add3A_31 {offsets = [3200, 0], sizes = [3200, 128], strides = [1, 1]} : vector<12800x128xf32> to vector<3200x128xf32>
    %slice3A_34 = vector.extract_strided_slice %add3A_31 {offsets = [6400, 0], sizes = [3200, 128], strides = [1, 1]} : vector<12800x128xf32> to vector<3200x128xf32>
    %slice3A_35 = vector.extract_strided_slice %add3A_31 {offsets = [9600, 0], sizes = [3200, 128], strides = [1, 1]} : vector<12800x128xf32> to vector<3200x128xf32>
    %concatenate3A_36 = tpu.concatenate %slice3A_32, %slice3A_33, %slice3A_34, %slice3A_35 in 1 : vector<3200x128xf32>, vector<3200x128xf32>, vector<3200x128xf32>, vector<3200x128xf32> -> vector<3200x512xf32>
    %swap3A = arith.constant 0 : index
    %swap3A_37 = arith.constant 0 : index
    %swap3A_38 = vector.load %arg6[%swap3A, %swap3A_37] : memref<3200x512xf32, #tpu.memory_space<vmem>>, vector<3200x512xf32>
    tpu.vector_store %arg6[%swap3A, %swap3A_37], %concatenate3A_36 {strides = array<i32>} : memref<3200x512xf32, #tpu.memory_space<vmem>>, vector<3200x512xf32>,
    return
  }
  func.func @transform_0(%arg0: i32) -> (i32, i32) {
    %c0_i32 = arith.constant 0 : i32
    %c0_i32_0 = arith.constant 0 : i32
    return %arg0, %c0_i32 : i32, i32
  }
  func.func @transform_1(%arg0: i32) -> (i32, i32) {
    %c0_i32 = arith.constant 0 : i32
    %c0_i32_0 = arith.constant 0 : i32
    %c0_i32_1 = arith.constant 0 : i32
    return %c0_i32, %c0_i32_0 : i32, i32
  }
  func.func @transform_2(%arg0: i32) -> (i32, i32) {
    %c0_i32 = arith.constant 0 : i32
    %c0_i32_0 = arith.constant 0 : i32
    %c0_i32_1 = arith.constant 0 : i32
    return %c0_i32, %c0_i32_0 : i32, i32
  }
  func.func @transform_3(%arg0: i32) -> (i32, i32) {
    %c0_i32 = arith.constant 0 : i32
    %c0_i32_0 = arith.constant 0 : i32
    %c0_i32_1 = arith.constant 0 : i32
    return %c0_i32, %c0_i32_0 : i32, i32
  }
  func.func @transform_4(%arg0: i32) -> (i32, i32) {
    %c0_i32 = arith.constant 0 : i32
    %c0_i32_0 = arith.constant 0 : i32
    %c0_i32_1 = arith.constant 0 : i32
    return %c0_i32, %c0_i32_0 : i32, i32
  }
  func.func @transform_5(%arg0: i32) -> (i32, i32) {
    %c0_i32 = arith.constant 0 : i32
    %c0_i32_0 = arith.constant 0 : i32
    return %arg0, %c0_i32 : i32, i32
  }
}

</mosaic_0001>

<sc_bundles>
// kernel: kernel.5.cloned.1.call-start
scs
__scs_entry_jumppad:
0x0: {  	(pc) =	sbr.rel $0x88, $3  }
0x1: {  	(tag) =	ssettag $0x0;
	lr =	simm.s32 $0x1  }
0x2: {  	[smem:$0x3F9B] =	sst lr;
	_ =	strace $0xD0000000  }
0x3: {  	_ = 	snop  }
0x4: {  	_ = 	snop  }
0x5: {  	_ = 	snop  }
0x6: {  	_ = 	snop  }
0x7: {  	_ = 	snop  }
__scs_overlays_trampoline_lowered:
0x8: {  	[smem:$0x3FAA] =	sst s0  }
0x9: {  	[smem:$0x3FAB] =	sst s1  }
0xa: {  	[smem:$0x3FAC] =	sst s2  }
0xb: {  	[smem:$0x3FAD] =	sst s3  }
0xc: {  	[smem:$0x3FAE] =	sst s4  }
0xd: {  	[smem:$0x3FAF] =	sst s5  }
0xe: {  	[smem:$0x3FB0] =	sst s6  }
0xf: {  	[smem:$0x3FB1] =	sst s7  }
0x10: {  	[smem:$0x3FB2] =	sst s8  }
0x11: {  	[smem:$0x3FB3] =	sst s9;
	s0 =	simm.s32 @!p0 $0x0  }
0x12: {  	s1 =	sld [smem:$0x3F99];
	s0 =	simm.s32 @p0 $0x1  }
0x13: {  	[smem:$0x3FB4] =	sst s0;
	s0 =	simm.s32 @!p1 $0x0  }
0x14: {  	s2 =	sld [smem:$0x3F98];
	s0 =	simm.s32 @p1 $0x1  }
0x15: {  	[smem:$0x3FB5] =	sst s0;
	s0 =	simm.s32 @!p2 $0x0  }
0x16: {  	s3 =	sld [smem:$0x3FDB];
	s0 =	simm.s32 @p2 $0x1  }
0x17: {  	s4 =	simm.s32 $0x1BF5;
	[smem:$0x3FB7] =	sst s0  }
0x18: {  	s0 =	sld [smem:$0x3F9A];
	_ =	swait.ge [sflag:s4], $0x0  }
0x19: {  	s7 =	sld [smem:$0x3F9B]  }
0x1a: {  	s8 =	sadd.s32 $0xFFFFE003, lr  }
0x1b: {  	s9 =	sadd.s32 $0xFFFFFEF7, lr;
	s5 =	simm.s32 $0xFFFFFFFF;
	p2 =	slt.u32 s8, $0xFFFFF086  }
0x1c: {  	p1 =	slt.u32 s9, $0xF7A;
	s5 =	simm.s32 @!p2 $0x0  }
0x1d: {  	s5 =	simm.s32 @p1 $0x1;
	p0 =	seq.s32 s7, s2  }
0x1e: {  	s7 =	smul.u32 @!p0 $0xF7A, s2;
	p2 =	seq.s32 @!p0 s5, $0x0  }
0x1f: {  	s9 =	smul.u32 $0xF7A, s1;
	s8 =	simm.s32 @!p0 $0x1BF5;
	p2 =	por !p2, p0  }
0x20: {  	[sflag:s8] =	ssyncset.s32 @!p0 $0xFFFFF086;
	s6 =	sadd.s32 @!p0 s3, s7;
	s7 =	simm.s32 @!p0 $0x108  }
0x21: {  	s3 =	sadd.s32 s3, s9;
	s6 =	sadd.s32 @!p0 $0x88, s6;
	s7 =	simm.s32 @p2 $0x1082  }
0x22: {  	[simem:s7], [sflag:s8] =	dma.local @!p0 [hbm:s6], $0xF7A  }
0x23: {  	s9 =	sor.u32 $0xD0000000, s2;
	s6 =	simm.s32 $0x108;
	_ =	swait.ge @!p0 [sflag:s8], $0x0  }
0x24: {  	s3 =	sadd.s32 $0x88, s3;
	s6 =	simm.s32 @!p1 $0x1082;
	[sflag:s4] =	ssyncset.s32 $0xFFFFF086  }
0x25: {  	[simem:s6], [sflag:s4] =	dma.local [hbm:s3], $0xF7A  }
0x26: {  	[smem:$0x3F9B] =	sst s1;
	(tag) =	ssettag s2;
	_ =	strace s9  }
0x27: {  	s1 =	sld [smem:$0x3FAB]  }
0x28: {  	s2 =	sld [smem:$0x3FAC]  }
0x29: {  	s4 =	sld [smem:$0x3FAE]  }
0x2a: {  	p0 =	seq.s32 s5, $0x0;
	s5 =	sld [smem:$0x3FAF]  }
0x2b: {  	s6 =	sld [smem:$0x3FB0]  }
0x2c: {  	s7 =	sld [smem:$0x3FB1]  }
0x2d: {  	s3 =	simm.s32 $0x108;
	s8 =	sld [smem:$0x3FB2]  }
0x2e: {  	s3 =	simm.s32 @!p0 $0x1082;
	s9 =	sld [smem:$0x3FB3]  }
0x2f: {  	lr =	sadd.s32 s0, s3;
	s0 =	sld [smem:$0x3FAA]  }
0x30: {  	s3 =	sld [smem:$0x3FAD]  }
0x31: {  	[smem:$0x3FB6] =	sst s10  }
0x32: {  	s10 =	sld [smem:$0x3FB4];
	_ =	sdelay $0x3  }
0x33: {  	p0 =	seq.s32 s10, $0x1;
	s10 =	sld [smem:$0x3FB6];
	_ =	sdelay $0x3  }
0x34: {  	[smem:$0x3FB6] =	sst s10  }
0x35: {  	s10 =	sld [smem:$0x3FB5];
	_ =	sdelay $0x3  }
0x36: {  	p1 =	seq.s32 s10, $0x1;
	s10 =	sld [smem:$0x3FB6];
	_ =	sdelay $0x3  }
0x37: {  	[smem:$0x3FB6] =	sst s10  }
0x38: {  	s10 =	sld [smem:$0x3FB7]  }
0x39: {  	_ = 	snop;
	(pc) =	sbr.ind lr, $3  }
0x3a: {  	_ = 	snop  }
0x3b: {  	_ = 	snop  }
0x3c: {  	p2 =	seq.s32 s10, $0x1;
	s10 =	sld [smem:$0x3FB6]  }
0x3d: {  	_ =	shalt  }
0x3e: {  	_ =	shalt  }
0x3f: {  	_ =	shalt  }
0x40: {  	_ =	shalt  }
0x41: {  	_ =	shalt  }
0x42: {  	_ =	shalt  }
0x43: {  	_ =	shalt  }
0x44: {  	_ =	shalt  }
0x45: {  	_ =	shalt  }
0x46: {  	_ =	shalt  }
0x47: {  	_ =	shalt  }
0x48: {  	_ =	shalt  }
0x49: {  	_ =	shalt  }
0x4a: {  	_ =	shalt  }
0x4b: {  	_ =	shalt  }
0x4c: {  	_ =	shalt  }
0x4d: {  	_ =	shalt  }
0x4e: {  	_ =	shalt  }
0x4f: {  	_ =	shalt  }
0x50: {  	_ =	shalt  }
0x51: {  	_ =	shalt  }
0x52: {  	_ =	shalt  }
0x53: {  	_ =	shalt  }
0x54: {  	_ =	shalt  }
0x55: {  	_ =	shalt  }
0x56: {  	_ =	shalt  }
0x57: {  	_ =	shalt  }
0x58: {  	_ =	shalt  }
0x59: {  	_ =	shalt  }
0x5a: {  	_ =	shalt  }
0x5b: {  	_ =	shalt  }
0x5c: {  	_ =	shalt  }
0x5d: {  	_ =	shalt  }
0x5e: {  	_ =	shalt  }
0x5f: {  	_ =	shalt  }
0x60: {  	_ =	shalt  }
0x61: {  	_ =	shalt  }
0x62: {  	_ =	shalt  }
0x63: {  	_ =	shalt  }
0x64: {  	_ =	shalt  }
0x65: {  	_ =	shalt  }
0x66: {  	_ =	shalt  }
0x67: {  	_ =	shalt  }
0x68: {  	_ =	shalt  }
0x69: {  	_ =	shalt  }
0x6a: {  	_ =	shalt  }
0x6b: {  	_ =	shalt  }
0x6c: {  	_ =	shalt  }
0x6d: {  	_ =	shalt  }
0x6e: {  	_ =	shalt  }
0x6f: {  	_ =	shalt  }
0x70: {  	_ =	shalt  }
0x71: {  	_ =	shalt  }
0x72: {  	_ =	shalt  }
0x73: {  	_ =	shalt  }
0x74: {  	_ =	shalt  }
0x75: {  	_ =	shalt  }
0x76: {  	_ =	shalt  }
0x77: {  	_ =	shalt  }
0x78: {  	_ =	shalt  }
0x79: {  	_ =	shalt  }
0x7a: {  	_ =	shalt  }
0x7b: {  	_ =	shalt  }
0x7c: {  	_ =	shalt  }
0x7d: {  	_ =	shalt  }
0x7e: {  	_ =	shalt  }
0x7f: {  	_ =	shalt  }
0x80: {  	_ =	shalt  }
0x81: {  	_ =	shalt  }
0x82: {  	_ =	shalt  }
0x83: {  	_ =	shalt  }
0x84: {  	_ =	shalt  }
0x85: {  	_ =	shalt  }
0x86: {  	_ =	shalt  }
0x87: {  	_ =	shalt  }
.Lfunc_end0:
.L_simem_size_0:
called_computation_lowered:
.L_overlay_start_0:
0x88: {  	s2 =	sld [smem:$0x3FD9]  }
0x89: {  	s3 =	sld [smem:$0x3FFE];
	_ =	sdelay $0x1  }
0x8a: {  	s1 =	srdreg.scid  }
0x8b: {  	s0 =	sand.u32 $0x1, s1  }
0x8c: {  	s17 =	sshll.u32 s0, $0xA;
	s2 =	sadd.s32 s3, s2  }
0x8d: {  	s2 =	sadd.s32 s2, s17  }
0x8e: {  	[smem:$0x3FC2] =	sst s2  }
0x8f: {  	_ = 	snop  }
0x90: {  	s2 =	sld [smem:$0x3FD0];
	(tm) =	ssettm $0x1  }
0x91: {  	s18 =	sld [smem:$0x3FFB];
	_ =	sdelay $0x3  }
0x92: {  	_ =	strace s18  }
0x93: {  	s3 =	sld [smem:$0x3FFC];
	_ =	sdelay $0x3  }
0x94: {  	_ =	strace s3  }
0x95: {  	s3 =	sld [smem:$0x3FFD];
	_ =	sdelay $0x3  }
0x96: {  	_ =	strace s3  }
0x97: {  	_ =	strace $0x8FFFFFFF  }
0x98: {  	s19 =	sld [smem:$0x3FDB];
	_ =	sdelay $0x1  }
0x99: {  	s4 =	simm.s32 $_scs_section_size  }
0x9a: {  	s5 =	simm.s32 $_size__tile_overlayer_lowered;
	s6 =	simm.s32 $_tile_overlayer_lowered  }
0x9b: {  	s22 =	simm.s32 $0x1BFF;
	s21 =	sshll.u32 s6, $0x1;
	s3 =	sadd.s32 s4, s19  }
0x9c: {  	s7 =	simm.s32 $0x0;
	s20 =	sshll.u32 s5, $0x1;
	s5 =	sadd.s32 s21, s3  }
0x9d: {  	[timem:s7], [sflag:s22] =	dma.local [hbm:s5], s20  }
0x9e: {  	_ =	swait.ge [sflag:s22], s20  }
0x9f: {  	s4 =	ssub.s32 $0x0, s20;
	[sflag:s22] =	ssyncset.done $0x0  }
0xa0: {  	[sflag:s22] =	ssyncadd.s32 s4;
	_ =	sdelay $0x1  }
0xa1: {  	s23 =	simm.s32 $0x1B8B  }
0xa2: {  	_ =	swait.ge [sflag:s23], $0x1  }
0xa3: {  	[sflag:s23] =	ssyncset.done $0x0  }
0xa4: {  	s25 =	simm.s32 $0x1B8E;
	s24 =	sld [smem:$0x3FFE];
	[sflag:s23] =	ssyncadd.s32 $0xFFFFFFFF  }
0xa5: {  	s26 =	simm.s32 $execute0_lowered;
	[smem:$0x3FD2] =	sst s25  }
0xa6: {  	s5 =	sshll.u32 s26, $0x1;
	_ =	strace $0x80000046;
	[dreg:$0x1] =	wrdreg $0xFFFFFFFF  }
0xa7: {  	s28 =	simm.s32 $_size_execute0_lowered;
	s3 =	sadd.s32 s3, s5;
	[dreg:$0x0] =	wrdreg $0x0  }
0xa8: {  	s5 =	sshll.u32 s28, $0x1;
	[dreg:$0x2] =	wrdreg s3  }
0xa9: {  	[dreg:$0x3] =	wrdreg s5  }
0xaa: {  	[dreg:$0x4] =	wrdreg $0xC0  }
0xab: {  	_ =	task [dreg:s7], $0x5FFFF  }
0xac: {  	[dreg:$0x1] =	wrdreg $0xFFFFFFFF  }
0xad: {  	[dreg:$0x0] =	wrdreg $0x60  }
0xae: {  	[dreg:$0x2] =	wrdreg s24  }
0xaf: {  	[dreg:$0x3] =	wrdreg s2  }
0xb0: {  	[dreg:$0x4] =	wrdreg $0x9  }
0xb1: {  	_ =	task.clear_ibuf [dreg:s7], $0x5FFFF;
	_ =	strace $0x90000046  }
0xb2: {  	s29 =	simm.s32 $0x9;
	_ =	strace $0x80000048  }
0xb3: {  	_ =	swait.ge [sflag:s29], $0x1  }
0xb4: {  	[sflag:s29] =	ssyncadd.s32 $0xFFFFFFFF  }
0xb5: {  	_ =	strace $0x90000048  }
0xb6: {  	_ =	sfence  }
0xb7: {  	s30 =	sld [smem:$0x0];
	_ =	sdelay $0x2  }
0xb8: {  	s31 =	sshll.u32 s1, $0xD;
	s1 =	sshrl.u32 s1, $0x2  }
0xb9: {  	s3 =	sand.u32 $0x4000, s31;
	s1 =	sadd.s32 s1, s30  }
0xba: {  	s0 =	sor.u32 s3, s0;
	s1 =	sshll.u32 s1, $0x11  }
0xbb: {  	s0 =	sor.u32 s1, s0  }
0xbc: {  	s0 =	sadd.s32 $0x8F2B, s0  }
0xbd: {  	[sflag:s0] =	ssyncadd.remote.s32 $0x1  }
0xbe: {  	_ =	sfence.sel $0xFFFF  }
0xbf: {  	[dreg:$0x0] =	wrdreg $0xFFFFFFFF;
	(pc) =	sbr.abs _section_cstart, $3  }
0xc0: {  	[dreg:$0x1] =	wrdreg $0xFFFFFFFF  }
0xc1: {  	_ =	task.clear_ibuf [dreg:s7], $0x2FFFF;
	_ =	strace $0x9FFFFFFF  }
0xc2: {  	(tm) =	ssettm $0x7FFFFFFF  }
0xc3: {  	_ =	shalt  }
tec
execute0_lowered:
.L_overlay_start_1:
0x0: {  	(tag) =	ssettag $0x1  }
0x1: {  	s1 =	srdreg.scid;
	s3 =	rddreg [dreg:$0x0]  }
0x2: {  	s0 =	stileid.u32;
	s8 =	rddreg [dreg:$0x1]  }
0x3: {  	s2 =	simm.s32 $0x0;
	s13 =	simm.s32 $0x2900;
	s14 =	simm.s32 $0x1  }
0x4: {  	s15 =	simm.s32 $0x2;
	s16 =	simm.s32 $0x0;
	s10 =	smul.u32 $0x64, s0  }
0x5: {  	s7 =	sand.u32 $0x1, s1;
	s1 =	rddreg [dreg:$0x2];
	s29 =	smul.u32 $0xC800, s0  }
0x6: {  	s26 =	sshll.u32 s0, $0x1;
	[smem:$0x7FF] =	sst s2;
	s11 =	smul.u32 $0x32, s7  }
0x7: {  	s4 =	sor.u32 s7, s26;
	s6 =	ssub.s32 $0x2, s7;
	s12 =	smul.u32 $0x6400, s7  }
0x8: {  	_ =	strace $0x80000047;
	s5 =	smul.u32 $0x320, s4;
	s28 =	sshrl.u32 s6, $0x1  }
0x9: {  	s9 =	smul.u32 $0x6400, s4;
	s31 =	sadd.s32 s29, s8;
	s6 =	ssub.s32 s6, s28  }
0xa: {  	s10 =	sadd.s32 s11, s10;
	s11 =	simm.s32 $0x80;
	s5 =	sadd.s32 s5, s3  }
0xb: {  	s3 =	sadd.s32 $0x7000, s3;
	s9 =	sadd.s32 s8, s9;
	s10 =	sshll.u32 s10, $0x9  }
0xc: {  	s4 =	sadd.s32 $0xC00, s5;
	s5 =	smax.u32 s6, $0x1;
	s6 =	sadd.s32 $0x6000, s9  }
0xd: {  	s7 =	sadd.s32 $0x6200, s9;
	s30 =	sadd.s32 s10, s8;
	s9 =	sadd.s32 s12, s31  }
0xe: {  	s10 =	simm.s32 $0x3;
	s12 =	simm.s32 $0x1900;
	s8 =	sadd.s32 $0x200, s30  }
.LBB2_1:
0xf: {  	[tilespmem:s2], [sflag:$0x3] =	stream.linear.gather [hbm4b:s4+s2], $0x1900, $0x38;
	[tilespmem:$0x3900] =	vst v63  }
0x10: {  	_ =	swait.ge [sflag:s10], $0x1900  }
0x11: {  	[sflag:s10] =	ssyncset.done $0x0  }
0x12: {  	[sflag:s10] =	ssyncadd.s32 $0xFFFFE700  }
0x13: {  	[tilespmem:s12], [sflag:$0x1] =	stream.indirect.gather [hbm4b:s3+s11], $0x20, s2, s11, $0xb8;
	[tilespmem:$0x3900] =	vst v63  }
0x14: {  	_ = 	snop  }
0x15: {  	[tilespmem:s13], [sflag:$0x2] =	stream.indirect.gather [hbm4b:s3+s11], $0x20, s11, s11, $0xb8;
	[tilespmem:$0x3900] =	vst v63  }
0x16: {  	_ =	swait.ge [sflag:s14], $0x1000  }
0x17: {  	[sflag:s14] =	ssyncset.done $0x0  }
0x18: {  	s17 =	sadd.s32 $0x0, s9;
	[sflag:s14] =	ssyncadd.s32 $0xFFFFF000  }
0x19: {  	[hbm4b:s17+s2] =	stream.linear.scatter [tilespmem:s12], [sflag:$0x3], $0x1000, $0x38;
	[tilespmem:$0x3900] =	vst v63  }
0x1a: {  	_ =	swait.ge [sflag:s10], $0x1000  }
0x1b: {  	[sflag:s10] =	ssyncset.done $0x0  }
0x1c: {  	s30 =	simm.s32 $0x100;
	[sflag:s10] =	ssyncadd.s32 $0xFFFFF000  }
0x1d: {  	[tilespmem:s12], [sflag:$0x1] =	stream.indirect.gather [hbm4b:s3+s11], $0x20, s30, s11, $0xb8;
	[tilespmem:$0x3900] =	vst v63  }
0x1e: {  	_ =	swait.ge [sflag:s15], $0x1000  }
0x1f: {  	[sflag:s15] =	ssyncset.done $0x0  }
0x20: {  	s31 =	sadd.s32 $0x0, s8;
	[sflag:s15] =	ssyncadd.s32 $0xFFFFF000  }
0x21: {  	[hbm4b:s31+s2] =	stream.linear.scatter [tilespmem:s13], [sflag:$0x3], $0x1000, $0x38;
	[tilespmem:$0x3900] =	vst v63  }
0x22: {  	_ =	swait.ge [sflag:s10], $0x1000  }
0x23: {  	[sflag:s10] =	ssyncset.done $0x0  }
0x24: {  	s18 =	simm.s32 $0x180;
	s17 =	simm.s32 $0x400;
	[sflag:s10] =	ssyncadd.s32 $0xFFFFF000  }
.LBB2_2:
0x25: {  	[tilespmem:s13], [sflag:$0x2] =	stream.indirect.gather [hbm4b:s3+s11], $0x20, s18, s11, $0xb8;
	[tilespmem:$0x3900] =	vst v63  }
0x26: {  	s18 =	smov.u32 s17  }
0x27: {  	p0 =	sne.s32 s17, $0x5C00;
	s17 =	sadd.s32 $0x400, s17;
	_ =	swait.ge [sflag:s14], $0x1000  }
0x28: {  	[sflag:s14] =	ssyncset.done $0x0  }
0x29: {  	s19 =	sadd.s32 s18, s9;
	[sflag:s14] =	ssyncadd.s32 $0xFFFFF000  }
0x2a: {  	[hbm4b:s19+s2] =	stream.linear.scatter [tilespmem:s12], [sflag:$0x3], $0x1000, $0x38;
	[tilespmem:$0x3900] =	vst v63  }
0x2b: {  	_ =	swait.ge [sflag:s10], $0x1000  }
0x2c: {  	s19 =	sshra.s32 s18, $0x2;
	[sflag:s10] =	ssyncset.done $0x0  }
0x2d: {  	s20 =	sadd.s32 $0x100, s19;
	[sflag:s10] =	ssyncadd.s32 $0xFFFFF000  }
0x2e: {  	[tilespmem:s12], [sflag:$0x1] =	stream.indirect.gather [hbm4b:s3+s11], $0x20, s20, s11, $0xb8;
	[tilespmem:$0x3900] =	vst v63  }
0x2f: {  	_ =	swait.ge [sflag:s15], $0x1000  }
0x30: {  	[sflag:s15] =	ssyncset.done $0x0  }
.Ltmp0:
0x31: {  	s18 =	sadd.s32 s18, s8;
	[sflag:s15] =	ssyncadd.s32 $0xFFFFF000;
	(pc) =	sbr.rel @p0 .LBB2_2-.Ltmp0, $4  }
0x32: {  	[hbm4b:s18+s2] =	stream.linear.scatter [tilespmem:s13], [sflag:$0x3], $0x1000, $0x38;
	[tilespmem:$0x3900] =	vst v63  }
0x33: {  	_ =	swait.ge [sflag:s10], $0x1000  }
0x34: {  	[sflag:s10] =	ssyncset.done $0x0  }
0x35: {  	s18 =	sadd.s32 $0x180, s19;
	[sflag:s10] =	ssyncadd.s32 $0xFFFFF000  }
0x36: {  	[tilespmem:s13], [sflag:$0x2] =	stream.indirect.gather [hbm4b:s3+s11], $0x20, s18, s11, $0xb8;
	[tilespmem:$0x3900] =	vst v63  }
0x37: {  	_ =	swait.ge [sflag:s14], $0x1000  }
0x38: {  	[sflag:s14] =	ssyncset.done $0x0  }
0x39: {  	[sflag:s14] =	ssyncadd.s32 $0xFFFFF000  }
0x3a: {  	[hbm4b:s6+s2] =	stream.linear.scatter [tilespmem:s12], [sflag:$0x3], $0x1000, $0x38;
	[tilespmem:$0x3900] =	vst v63  }
0x3b: {  	_ =	swait.ge [sflag:s10], $0x1000  }
0x3c: {  	[sflag:s10] =	ssyncset.done $0x0  }
0x3d: {  	[sflag:s10] =	ssyncadd.s32 $0xFFFFF000  }
0x3e: {  	s16 =	sadd.s32 $0x1, s16;
	_ =	swait.ge [sflag:s15], $0x1000  }
0x3f: {  	p0 =	sne.s32 s16, s5;
	[sflag:s15] =	ssyncset.done $0x0  }
.Ltmp1:
0x40: {  	[sflag:s15] =	ssyncadd.s32 $0xFFFFF000;
	(pc) =	sbr.rel @p0 .LBB2_1-.Ltmp1, $4  }
0x41: {  	[hbm4b:s7+s2] =	stream.linear.scatter [tilespmem:s13], [sflag:$0x3], $0x1000, $0x38;
	[tilespmem:$0x3900] =	vst v63  }
0x42: {  	_ =	swait.ge [sflag:s10], $0x1000  }
0x43: {  	[sflag:s10] =	ssyncset.done $0x0  }
0x44: {  	[sflag:s10] =	ssyncadd.s32 $0xFFFFF000  }
0x45: {  	_ =	sfence.sel $0x180000  }
0x46: {  	[bflag:$0x0] =	sbarrier.arrive $0xFFFF  }
0x47: {  	p0 =	sne.s32 s0, $0x0;
	_ =	strace $0x90000047  }
0x48: {  	s0 =	sadd.s32 @!p0 $0x100000, s1;
	[bflag:$0x2] =	sbarrier.arrive $0xFFFF  }
0x49: {  	[sflag:s0] =	ssyncadd.tile.s32 @!p0 $0x1;
	_ =	shalt  }
.Lfunc_end2:
_tile_overlayer_lowered:
.L_overlay_start_2:
0x4a: {  	(tag) =	ssettag $0x2  }
0x4b: {  	s0 =	rddreg [dreg:$0x0];
	s2 =	stileid.u32  }
0x4c: {  	s1 =	rddreg [dreg:$0x1];
	p0 =	sne.s32 s2, $0x0  }
0x4d: {  	s3 =	rddreg [dreg:$0x2];
	[bflag:$0x3] =	sbarrier.arrive $0xFFFF;
	s2 =	simm.s32 @!p0 $0x1C03  }
0x4e: {  	[timem:s3], [sflag:s2] =	dma.local @!p0 [hbm:s0], s1  }
0x4f: {  	s0 =	simm.s32 @!p0 $0x3  }
0x50: {  	_ =	swait.ge @!p0 [sflag:s0], s1  }
0x51: {  	s1 =	ssub.s32 @!p0 $0x0, s1;
	[sflag:s0] =	ssyncset.done @!p0 $0x0  }
0x52: {  	[sflag:s0] =	ssyncadd.s32 @!p0 s1  }
0x53: {  	[bflag:$0x3] =	sbarrier.arrive $0xFFFF  }
0x54: {  	_ =	shalt  }

</sc_bundles>
